<compile_context>
chip_gen: v7x
topology: tpu7x:2x2x1
jax: 0.10.2.dev20260603
libtpu: 0.0.44.dev20260713+nightly
codegen_flags: <defaults>
</compile_context>

<pallas_src>
import functools

import jax
import jax.numpy as jnp
from jax import lax
from jax.experimental import pallas as pl
from jax.experimental.pallas import tpu as pltpu
from jax.experimental.pallas import tpu_sc as plsc

D_MODEL = 1024
N_EXPERTS = 8
CAPACITY = 512
D_FF = 2048
EPAD = 128

_SC_CORES = 2
_SC_SUBCORES = 16
_SC_WORKERS = _SC_CORES * _SC_SUBCORES
_GROWS = 64


def _sc_gather(table, idx):
    b = idx.shape[0]
    d = table.shape[1]
    chunks = b // (_SC_WORKERS * _GROWS)
    mesh = plsc.VectorSubcoreMesh(core_axis_name="c", subcore_axis_name="s")

    @functools.partial(
        pl.kernel,
        mesh=mesh,
        out_type=jax.ShapeDtypeStruct((b, d), table.dtype),
        scratch_types=[
            pltpu.VMEM((_GROWS,), jnp.int32),
            pltpu.VMEM((_GROWS, d), table.dtype),
            pltpu.SemaphoreType.DMA,
        ],
    )
    def k(table_hbm, idx_hbm, out_hbm, idx_v, rows_v, sem):
        wid = lax.axis_index("s") * _SC_CORES + lax.axis_index("c")
        for c in range(chunks):
            base = (wid * chunks + c) * _GROWS
            pltpu.sync_copy(idx_hbm.at[pl.ds(base, _GROWS)], idx_v)
            pltpu.async_copy(table_hbm.at[idx_v], rows_v, sem).wait()
            pltpu.sync_copy(rows_v, out_hbm.at[pl.ds(base, _GROWS)])

    return k(table, idx)


def _router_kernel(h_ref, rw_ref, tslot_ref, cidx_ref, cw_ref, scale_ref, *, T):
    f32 = jnp.float32
    i32 = jnp.int32
    h = h_ref[...]
    logits = jnp.dot(h, rw_ref[...], preferred_element_type=f32)
    lane = lax.broadcasted_iota(i32, (T, EPAD), 1)
    lm = jnp.where(lane < N_EXPERTS, logits, -jnp.inf)

    mx = jnp.max(lm, axis=1, keepdims=True)
    ex = jnp.exp(lm - mx)
    probs = ex / jnp.sum(ex, axis=1, keepdims=True)

    i1 = jnp.min(jnp.where(lm >= mx, lane, EPAD), axis=1, keepdims=True)
    l2 = jnp.where(lane == i1, -jnp.inf, lm)
    m2 = jnp.max(l2, axis=1, keepdims=True)
    i2 = jnp.min(jnp.where(l2 >= m2, lane, EPAD), axis=1, keepdims=True)
    topm = (lane == i1) | (lane == i2)
    topf = topm.astype(f32)

    bits = lax.bitcast_convert_type(logits + 0.0, i32)
    key = jnp.where(bits < 0, jnp.bitwise_xor(~bits, i32(-(2**31))), bits)
    key = jnp.where(topm & (lane < N_EXPERTS), key, i32(-(2**31)))

    def bstep(i, v):
        cand = v + lax.shift_left(i32(1), i32(31) - i)
        cnt = jnp.sum((key >= cand).astype(f32), axis=0, keepdims=True)
        return jnp.where(cnt >= CAPACITY, cand, v)

    v = lax.fori_loop(0, 32, bstep, jnp.full((1, EPAD), -(2**31), i32))

    above = (key > v).astype(f32)
    at = (key == v).astype(f32)
    n_above = jnp.sum(above, axis=0, keepdims=True)

    BT = 256
    tri = (
        lax.broadcasted_iota(i32, (BT, BT), 1)
        < lax.broadcasted_iota(i32, (BT, BT), 0)
    ).astype(jnp.bfloat16)

    def prefix_excl(x):
        xb = x.astype(jnp.bfloat16)
        parts = []
        tot = jnp.zeros((1, EPAD), f32)
        for b in range(T // BT):
            blk = xb[b * BT : (b + 1) * BT]
            parts.append(jnp.dot(tri, blk, preferred_element_type=f32) + tot)
            tot = tot + jnp.sum(
                x[b * BT : (b + 1) * BT], axis=0, keepdims=True
            )
        return jnp.concatenate(parts, axis=0)

    tie_rank = prefix_excl(at)
    kept = (above + at * (tie_rank < (CAPACITY - n_above)).astype(f32)) * topf
    slot = prefix_excl(kept)

    slot_i = slot.astype(i32)
    kept_b = kept > 0
    cap_iota = lax.broadcasted_iota(i32, (T, CAPACITY), 1)
    tok_colf = lax.broadcasted_iota(i32, (T, 1), 0).astype(f32)
    for e in range(N_EXPERTS):
        onehot = (slot_i[:, e : e + 1] == cap_iota) & kept_b[:, e : e + 1]
        tslot_ref[e : e + 1, :] = jnp.sum(
            jnp.where(onehot, tok_colf, 0.0), axis=0, keepdims=True
        ).astype(i32)

    def pick(x, i):
        return jnp.sum(jnp.where(lane == i, x, 0.0), axis=1, keepdims=True)

    k1 = pick(kept, i1) > 0
    k2 = pick(kept, i2) > 0
    s1 = pick(slot, i1).astype(i32)
    s2 = pick(slot, i2).astype(i32)
    w0 = jnp.where(k1, pick(probs, i1), 0.0)
    w1 = jnp.where(k2, pick(probs, i2), 0.0)
    cidx_ref[:, 0:1] = jnp.where(k1, i1 * CAPACITY + s1, 0)
    cidx_ref[:, 1:2] = jnp.where(k2, i2 * CAPACITY + s2, 0)
    cw_ref[:, 0:1] = w0
    cw_ref[:, 1:2] = w1
    scale_ref[...] = 1.0 - w0 - w1


def _ffn_kernel(x_ref, w1_ref, w3_ref, w2_ref, o_ref):
    bf16 = jnp.bfloat16
    f = pl.program_id(1)
    x = x_ref[0].astype(bf16)
    a = jnp.dot(x, w1_ref[0].astype(bf16), preferred_element_type=jnp.float32)
    b = jnp.dot(x, w3_ref[0].astype(bf16), preferred_element_type=jnp.float32)
    u = (a * lax.logistic(a) * b).astype(bf16)
    part = jnp.dot(u, w2_ref[0].astype(bf16), preferred_element_type=jnp.float32)

    @pl.when(f == 0)
    def _():
        o_ref[0] = part.astype(bf16)

    @pl.when(f > 0)
    def _():
        o_ref[0] = (o_ref[0].astype(jnp.float32) + part).astype(bf16)


def _logits_kernel(h_ref, g_ref, cw_ref, sc_ref, lnw_ref, e_ref, o_ref, hn_ref):
    @pl.when(pl.program_id(0) == 0)
    def _():
        h = h_ref[...]
        g0 = g_ref[:, :D_MODEL].astype(jnp.float32)
        g1 = g_ref[:, D_MODEL:].astype(jnp.float32)
        hn = h * sc_ref[...] + g0 * cw_ref[:, 0:1] + g1 * cw_ref[:, 1:2]
        var = jnp.mean(hn * hn, axis=1, keepdims=True)
        hn_ref[...] = (hn * lax.rsqrt(var + 1e-6) * lnw_ref[...]).astype(
            jnp.bfloat16
        )

    o_ref[...] = lax.dot_general(
        hn_ref[...],
        e_ref[...].astype(jnp.bfloat16),
        (((1,), (1,)), ((), ())),
        preferred_element_type=jnp.float32,
    )


def kernel(ids, embed, router_w, w1, w3, w2, ln_w):
    T = ids.shape[0]
    V = embed.shape[0]

    h = _sc_gather(embed, ids.astype(jnp.int32))

    rw_pad = jnp.pad(router_w[0], ((0, 0), (0, EPAD - N_EXPERTS)))
    tslot, cidx, cw, scale = pl.pallas_call(
        functools.partial(_router_kernel, T=T),
        out_shape=(
            jax.ShapeDtypeStruct((N_EXPERTS, CAPACITY), jnp.int32),
            jax.ShapeDtypeStruct((T, 2), jnp.int32),
            jax.ShapeDtypeStruct((T, 2), jnp.float32),
            jax.ShapeDtypeStruct((T, 1), jnp.float32),
        ),
    )(h, rw_pad)

    xin = _sc_gather(h, tslot.reshape(-1))

    FB = 1024
    eo = pl.pallas_call(
        _ffn_kernel,
        grid=(N_EXPERTS, D_FF // FB),
        in_specs=[
            pl.BlockSpec((1, CAPACITY, D_MODEL), lambda e, f: (e, 0, 0)),
            pl.BlockSpec((1, D_MODEL, FB), lambda e, f: (e, 0, f)),
            pl.BlockSpec((1, D_MODEL, FB), lambda e, f: (e, 0, f)),
            pl.BlockSpec((1, FB, D_MODEL), lambda e, f: (e, f, 0)),
        ],
        out_specs=pl.BlockSpec((1, CAPACITY, D_MODEL), lambda e, f: (e, 0, 0)),
        out_shape=jax.ShapeDtypeStruct(
            (N_EXPERTS, CAPACITY, D_MODEL), jnp.bfloat16
        ),
        compiler_params=pltpu.CompilerParams(
            dimension_semantics=("arbitrary", "arbitrary")
        ),
    )(xin.reshape(N_EXPERTS, CAPACITY, D_MODEL), w1, w3, w2)

    eo_v = lax.bitcast_convert_type(
        eo.reshape(N_EXPERTS * CAPACITY, D_MODEL // 2, 2), jnp.float32
    )
    g = _sc_gather(eo_v, cidx.reshape(-1))
    g = lax.bitcast_convert_type(g, jnp.bfloat16)

    VB = 640
    logits = pl.pallas_call(
        _logits_kernel,
        grid=(V // VB,),
        in_specs=[
            pl.BlockSpec((T, D_MODEL), lambda v: (0, 0)),
            pl.BlockSpec((T, 2 * D_MODEL), lambda v: (0, 0)),
            pl.BlockSpec((T, 2), lambda v: (0, 0)),
            pl.BlockSpec((T, 1), lambda v: (0, 0)),
            pl.BlockSpec((1, D_MODEL), lambda v: (0, 0)),
            pl.BlockSpec((VB, D_MODEL), lambda v: (v, 0)),
        ],
        out_specs=pl.BlockSpec((T, VB), lambda v: (0, v)),
        out_shape=jax.ShapeDtypeStruct((T, V), jnp.float32),
        scratch_shapes=[pltpu.VMEM((T, D_MODEL), jnp.bfloat16)],
    )(h, g.reshape(T, 2 * D_MODEL), cw, scale, ln_w.reshape(1, D_MODEL), embed)
    return logits

# --- scband reference (transcript-rebuilt; emitter-appended) ---
"""Pipeline reference for scband-model-39281770889443 (READ-ONLY COPY).

The authoritative reference and input builder live on the scoring server;
editing this copy changes nothing except your own understanding.
"""

import jax, jax.numpy as jnp
import numpy as np

VOCAB = 32000
D_MODEL = 1024
N_HEADS = 16
D_HEAD = D_MODEL // N_HEADS
N_EXPERTS = 8
TOP_K = 2
CAPACITY = 512
D_FF = 2048
N_HOPS = 1
ROPE_BASE = 10000.0
T = 2048


def _rope_tables(t, d_h, base):
    inv = 1.0 / (base ** (jnp.arange(0, d_h, 2, dtype=jnp.float32) / d_h))
    pos = jnp.arange(t, dtype=jnp.float32)[:, None] * inv[None, :]
    cos = jnp.concatenate([jnp.cos(pos), jnp.cos(pos)], axis=-1)
    sin = jnp.concatenate([jnp.sin(pos), jnp.sin(pos)], axis=-1)
    return cos, sin


def _capacity_select(mask_te, score_te, capacity):
    m = mask_te.T
    g = jnp.where(m, score_te.T, -jnp.inf)
    cap = int(min(capacity, g.shape[1]))
    _, top_idx = jax.lax.top_k(g, cap)
    E, C = top_idx.shape
    Ttok = g.shape[1]
    slot = jnp.zeros((E, C, Ttok), dtype=g.dtype)
    slot = slot.at[jnp.arange(E)[:, None], jnp.arange(C)[None, :], top_idx].set(1.0)
    slot = slot * m[:, None, :].astype(slot.dtype)
    kept = slot.sum(1) > 0
    return slot, kept, top_idx


def _expert(x, w1, w3, w2):
    # SwiGLU MLP expert (ignores rope tables / mask, a valid expert type)
    return (jax.nn.silu(x @ w1) * (x @ w3)) @ w2


def _hop(h, rw, w1, w3, w2, cos, sin, token_mask):
    Ttok = h.shape[0]
    logits_clean = h @ rw
    probs_full = jax.nn.softmax(logits_clean, axis=-1)
    _, topi = jax.lax.top_k(logits_clean, TOP_K)
    mask_full = jnp.zeros(logits_clean.shape, dtype=bool).at[jnp.arange(Ttok)[:, None], topi].set(True)
    mask_full = jnp.where(token_mask[:, None], mask_full, False)
    probs_full = jnp.where(token_mask[:, None], probs_full, 0.0)
    slot, kept, top_idx = _capacity_select(mask_full, logits_clean, CAPACITY)
    xin = jnp.einsum('ect,td->ecd', slot, h)
    cosr = jnp.einsum('ect,td->ecd', slot, cos)
    sinr = jnp.einsum('ect,td->ecd', slot, sin)
    active = slot.sum(-1) > 0
    pos_for_sort = jnp.where(active, top_idx, Ttok + 1)
    order = jnp.argsort(pos_for_sort, axis=1)

    def _take(a):
        return jnp.take_along_axis(a, order[:, :, None], axis=1)

    xin = _take(xin)
    cosr = _take(cosr)
    sinr = _take(sinr)
    active = jnp.take_along_axis(active, order, axis=1)
    slot = jnp.take_along_axis(slot, order[:, :, None], 1)
    expert_out = jax.vmap(_expert)(xin, w1, w3, w2)
    expert_out = expert_out * active[:, :, None].astype(expert_out.dtype)
    kept_t = kept.T
    combine_w = jnp.where(kept_t, probs_full, 0.0)
    rho = combine_w.sum(axis=1, keepdims=True)
    combine = jnp.einsum('ecd,ect,et->td', expert_out, slot, combine_w.T)
    h_next = h + combine - rho * h
    h_next = jnp.where(token_mask[:, None], h_next, h)
    return h_next


def setup_inputs(seed: int = 0) -> dict:
    key = jax.random.key(seed)
    ks = jax.random.split(key, 7)
    ids = jax.random.randint(ks[0], (T,), 0, VOCAB)
    embed = jax.random.normal(ks[1], (VOCAB, D_MODEL), jnp.float32) * 0.02
    router_w = jax.random.normal(ks[2], (N_HOPS, D_MODEL, N_EXPERTS), jnp.float32) * 0.02
    w1 = jax.random.normal(ks[3], (N_EXPERTS, D_MODEL, D_FF), jnp.float32) * 0.02
    w3 = jax.random.normal(ks[4], (N_EXPERTS, D_MODEL, D_FF), jnp.float32) * 0.02
    w2 = jax.random.normal(ks[5], (N_EXPERTS, D_FF, D_MODEL), jnp.float32) * 0.02
    ln_w = jnp.ones((D_MODEL,), jnp.float32)
    return {"ids": ids, "embed": embed, "router_w": router_w, "w1": w1, "w3": w3, "w2": w2, "ln_w": ln_w}


def reference(ids, embed, router_w, w1, w3, w2, ln_w):
    h = jnp.take(embed, ids, axis=0)
    cos, sin = _rope_tables(h.shape[0], D_HEAD, ROPE_BASE)
    token_mask = jnp.ones((h.shape[0],), bool)
    for hop in range(N_HOPS):
        h = _hop(h, router_w[hop], w1, w3, w2, cos, sin, token_mask)
    var = jnp.mean(h * h, axis=-1, keepdims=True)
    h = h * jax.lax.rsqrt(var + 1e-6) * ln_w
    logits = h @ embed.T
    return logits

if __name__ == "__main__":
    import jax
    _d = setup_inputs()
    print(jax.jit(kernel)(*tuple(_d.values())))

</pallas_src>

<mosaic_0001>
#map = affine_map<(d0, d1) -> (0, 0)>
#map1 = affine_map<(d0, d1) -> (0)>
module attributes {stable_mosaic.version = 14 : i64} {
  func.func @k(%arg0: i32, %arg1: i32, %arg2: memref<32000x1024xf32, #tpu.memory_space<hbm>>, %arg3: memref<2048xi32, #tpu.memory_space<hbm>>, %arg4: memref<2048x1024xf32, #tpu.memory_space<hbm>>, %arg5: memref<64xi32, #tpu.memory_space<vmem>>, %arg6: memref<64x1024xf32, #tpu.memory_space<vmem>>, %arg7: memref<!tpu.dma_semaphore, #tpu.memory_space<semaphore_mem>>) attributes {dimension_semantics = [#tpu.dimension_semantics<core_parallel>, #tpu.dimension_semantics<subcore_parallel>], iteration_bounds = array<i64: 2, 16>, scalar_prefetch = 0 : i64, scratch_operands = 3 : i64, tpu.core_type = #tpu.core_type<sc_vector_subcore>, window_params = [{transform_indices = #map}, {transform_indices = #map1}, {transform_indices = #map}]} {
    %mul3A = arith.constant 2 : i32
    %mul3A_0 = arith.muli %arg1, %mul3A : i32
    %add3A = arith.addi %mul3A_0, %arg0 : i32
    %mul3A_1 = arith.constant 1 : i32
    %mul3A_2 = arith.muli %add3A, %mul3A_1 : i32
    %add3A_3 = arith.constant 0 : i32
    %add3A_4 = arith.addi %mul3A_2, %add3A_3 : i32
    %mul3A_5 = arith.constant 64 : i32
    %mul3A_6 = arith.muli %add3A_4, %mul3A_5 : i32
    "tpu.region"() ({
      %run_scoped3A = tpu.sem_alloc : memref<!tpu.dma_semaphore, #tpu.memory_space<semaphore_mem>>
      %dma_start3A_11 = tpu.memref_slice %arg3[%mul3A_6] : memref<2048xi32, #tpu.memory_space<hbm>> -> memref<64xi32, #tpu.memory_space<hbm>>
      %dma_start3A_12 = tpu.memref_slice %arg3[%mul3A_6] : memref<2048xi32, #tpu.memory_space<hbm>> -> memref<64xi32, #tpu.memory_space<hbm>>
      tpu.enqueue_dma source(%dma_start3A_12 : memref<64xi32, #tpu.memory_space<hbm>>) target(%arg5 : memref<64xi32, #tpu.memory_space<vmem>>) target_semaphore(%run_scoped3A : memref<!tpu.dma_semaphore, #tpu.memory_space<semaphore_mem>>)
      %dma_wait3A_13 = tpu.memref_slice %arg3[%mul3A_6] : memref<2048xi32, #tpu.memory_space<hbm>> -> memref<64xi32, #tpu.memory_space<hbm>>
      %dma_wait3A_14 = tpu.memref_slice %arg3[%mul3A_6] : memref<2048xi32, #tpu.memory_space<hbm>> -> memref<64xi32, #tpu.memory_space<hbm>>
      tpu.wait_dma2 semaphore(%run_scoped3A : memref<!tpu.dma_semaphore, #tpu.memory_space<semaphore_mem>>) src(%dma_wait3A_14 : memref<64xi32, #tpu.memory_space<hbm>>) dst(%arg5 : memref<64xi32, #tpu.memory_space<vmem>>)
      tpu.yield
    }) : () -> ()
    %dma_start3A = arith.constant 0 : i32
    %dma_start3A_7 = arith.constant 0 : i32
    %dma_start3A_8 = tpu.memref_slice %arg2[%dma_start3A, %dma_start3A_7] : memref<32000x1024xf32, #tpu.memory_space<hbm>> -> memref<32000x1024xf32, #tpu.memory_space<hbm>>
    tpu.enqueue_indirect_dma source(%dma_start3A_8 : memref<32000x1024xf32, #tpu.memory_space<hbm>>) target(%arg6 : memref<64x1024xf32, #tpu.memory_space<vmem>>) offsets(%arg5 : memref<64xi32, #tpu.memory_space<vmem>>) semaphore(%arg7 : memref<!tpu.dma_semaphore, #tpu.memory_space<semaphore_mem>>)
    %dma_wait3A = arith.constant 0 : i32
    %dma_wait3A_9 = arith.constant 0 : i32
    %dma_wait3A_10 = tpu.memref_slice %arg2[%dma_wait3A, %dma_wait3A_9] : memref<32000x1024xf32, #tpu.memory_space<hbm>> -> memref<32000x1024xf32, #tpu.memory_space<hbm>>
    tpu.wait_indirect_dma semaphore(%arg7 : memref<!tpu.dma_semaphore, #tpu.memory_space<semaphore_mem>>) src(%dma_wait3A_10 : memref<32000x1024xf32, #tpu.memory_space<hbm>>) dst(%arg6 : memref<64x1024xf32, #tpu.memory_space<vmem>>)
    "tpu.region"() ({
      %run_scoped3A = tpu.sem_alloc : memref<!tpu.dma_semaphore, #tpu.memory_space<semaphore_mem>>
      %dma_start3A_11 = arith.constant 0 : i32
      %dma_start3A_12 = tpu.memref_slice %arg4[%mul3A_6, %dma_start3A_11] : memref<2048x1024xf32, #tpu.memory_space<hbm>> -> memref<64x1024xf32, #tpu.memory_space<hbm>>
      %dma_start3A_13 = arith.constant 0 : i32
      %dma_start3A_14 = tpu.memref_slice %arg4[%mul3A_6, %dma_start3A_13] : memref<2048x1024xf32, #tpu.memory_space<hbm>> -> memref<64x1024xf32, #tpu.memory_space<hbm>>
      tpu.enqueue_dma source(%arg6 : memref<64x1024xf32, #tpu.memory_space<vmem>>) target(%dma_start3A_14 : memref<64x1024xf32, #tpu.memory_space<hbm>>) target_semaphore(%run_scoped3A : memref<!tpu.dma_semaphore, #tpu.memory_space<semaphore_mem>>)
      %dma_wait3A_15 = arith.constant 0 : i32
      %dma_wait3A_16 = tpu.memref_slice %arg4[%mul3A_6, %dma_wait3A_15] : memref<2048x1024xf32, #tpu.memory_space<hbm>> -> memref<64x1024xf32, #tpu.memory_space<hbm>>
      %dma_wait3A_17 = arith.constant 0 : i32
      %dma_wait3A_18 = tpu.memref_slice %arg4[%mul3A_6, %dma_wait3A_17] : memref<2048x1024xf32, #tpu.memory_space<hbm>> -> memref<64x1024xf32, #tpu.memory_space<hbm>>
      tpu.wait_dma2 semaphore(%run_scoped3A : memref<!tpu.dma_semaphore, #tpu.memory_space<semaphore_mem>>) src(%arg6 : memref<64x1024xf32, #tpu.memory_space<vmem>>) dst(%dma_wait3A_18 : memref<64x1024xf32, #tpu.memory_space<hbm>>)
      tpu.yield
    }) : () -> ()
    return
  }
}

#map = affine_map<(d0, d1) -> (0, 0)>
#map1 = affine_map<(d0, d1) -> (0)>
module attributes {stable_mosaic.version = 14 : i64} {
  func.func @k(%arg0: i32, %arg1: i32, %arg2: memref<4096x512xf32, #tpu.memory_space<hbm>>, %arg3: memref<4096xi32, #tpu.memory_space<hbm>>, %arg4: memref<4096x512xf32, #tpu.memory_space<hbm>>, %arg5: memref<64xi32, #tpu.memory_space<vmem>>, %arg6: memref<64x512xf32, #tpu.memory_space<vmem>>, %arg7: memref<!tpu.dma_semaphore, #tpu.memory_space<semaphore_mem>>) attributes {dimension_semantics = [#tpu.dimension_semantics<core_parallel>, #tpu.dimension_semantics<subcore_parallel>], iteration_bounds = array<i64: 2, 16>, scalar_prefetch = 0 : i64, scratch_operands = 3 : i64, tpu.core_type = #tpu.core_type<sc_vector_subcore>, window_params = [{transform_indices = #map}, {transform_indices = #map1}, {transform_indices = #map}]} {
    %mul3A = arith.constant 2 : i32
    %mul3A_0 = arith.muli %arg1, %mul3A : i32
    %add3A = arith.addi %mul3A_0, %arg0 : i32
    %mul3A_1 = arith.constant 2 : i32
    %mul3A_2 = arith.muli %add3A, %mul3A_1 : i32
    %add3A_3 = arith.constant 0 : i32
    %add3A_4 = arith.addi %mul3A_2, %add3A_3 : i32
    %mul3A_5 = arith.constant 64 : i32
    %mul3A_6 = arith.muli %add3A_4, %mul3A_5 : i32
    "tpu.region"() ({
      %run_scoped3A = tpu.sem_alloc : memref<!tpu.dma_semaphore, #tpu.memory_space<semaphore_mem>>
      %dma_start3A_23 = tpu.memref_slice %arg3[%mul3A_6] : memref<4096xi32, #tpu.memory_space<hbm>> -> memref<64xi32, #tpu.memory_space<hbm>>
      %dma_start3A_24 = tpu.memref_slice %arg3[%mul3A_6] : memref<4096xi32, #tpu.memory_space<hbm>> -> memref<64xi32, #tpu.memory_space<hbm>>
      tpu.enqueue_dma source(%dma_start3A_24 : memref<64xi32, #tpu.memory_space<hbm>>) target(%arg5 : memref<64xi32, #tpu.memory_space<vmem>>) target_semaphore(%run_scoped3A : memref<!tpu.dma_semaphore, #tpu.memory_space<semaphore_mem>>)
      %dma_wait3A_25 = tpu.memref_slice %arg3[%mul3A_6] : memref<4096xi32, #tpu.memory_space<hbm>> -> memref<64xi32, #tpu.memory_space<hbm>>
      %dma_wait3A_26 = tpu.memref_slice %arg3[%mul3A_6] : memref<4096xi32, #tpu.memory_space<hbm>> -> memref<64xi32, #tpu.memory_space<hbm>>
      tpu.wait_dma2 semaphore(%run_scoped3A : memref<!tpu.dma_semaphore, #tpu.memory_space<semaphore_mem>>) src(%dma_wait3A_26 : memref<64xi32, #tpu.memory_space<hbm>>) dst(%arg5 : memref<64xi32, #tpu.memory_space<vmem>>)
      tpu.yield
    }) : () -> ()
    %dma_start3A = arith.constant 0 : i32
    %dma_start3A_7 = arith.constant 0 : i32
    %dma_start3A_8 = tpu.memref_slice %arg2[%dma_start3A, %dma_start3A_7] : memref<4096x512xf32, #tpu.memory_space<hbm>> -> memref<4096x512xf32, #tpu.memory_space<hbm>>
    tpu.enqueue_indirect_dma source(%dma_start3A_8 : memref<4096x512xf32, #tpu.memory_space<hbm>>) target(%arg6 : memref<64x512xf32, #tpu.memory_space<vmem>>) offsets(%arg5 : memref<64xi32, #tpu.memory_space<vmem>>) semaphore(%arg7 : memref<!tpu.dma_semaphore, #tpu.memory_space<semaphore_mem>>)
    %dma_wait3A = arith.constant 0 : i32
    %dma_wait3A_9 = arith.constant 0 : i32
    %dma_wait3A_10 = tpu.memref_slice %arg2[%dma_wait3A, %dma_wait3A_9] : memref<4096x512xf32, #tpu.memory_space<hbm>> -> memref<4096x512xf32, #tpu.memory_space<hbm>>
    tpu.wait_indirect_dma semaphore(%arg7 : memref<!tpu.dma_semaphore, #tpu.memory_space<semaphore_mem>>) src(%dma_wait3A_10 : memref<4096x512xf32, #tpu.memory_space<hbm>>) dst(%arg6 : memref<64x512xf32, #tpu.memory_space<vmem>>)
    "tpu.region"() ({
      %run_scoped3A = tpu.sem_alloc : memref<!tpu.dma_semaphore, #tpu.memory_space<semaphore_mem>>
      %dma_start3A_23 = arith.constant 0 : i32
      %dma_start3A_24 = tpu.memref_slice %arg4[%mul3A_6, %dma_start3A_23] : memref<4096x512xf32, #tpu.memory_space<hbm>> -> memref<64x512xf32, #tpu.memory_space<hbm>>
      %dma_start3A_25 = arith.constant 0 : i32
      %dma_start3A_26 = tpu.memref_slice %arg4[%mul3A_6, %dma_start3A_25] : memref<4096x512xf32, #tpu.memory_space<hbm>> -> memref<64x512xf32, #tpu.memory_space<hbm>>
      tpu.enqueue_dma source(%arg6 : memref<64x512xf32, #tpu.memory_space<vmem>>) target(%dma_start3A_26 : memref<64x512xf32, #tpu.memory_space<hbm>>) target_semaphore(%run_scoped3A : memref<!tpu.dma_semaphore, #tpu.memory_space<semaphore_mem>>)
      %dma_wait3A_27 = arith.constant 0 : i32
      %dma_wait3A_28 = tpu.memref_slice %arg4[%mul3A_6, %dma_wait3A_27] : memref<4096x512xf32, #tpu.memory_space<hbm>> -> memref<64x512xf32, #tpu.memory_space<hbm>>
      %dma_wait3A_29 = arith.constant 0 : i32
      %dma_wait3A_30 = tpu.memref_slice %arg4[%mul3A_6, %dma_wait3A_29] : memref<4096x512xf32, #tpu.memory_space<hbm>> -> memref<64x512xf32, #tpu.memory_space<hbm>>
      tpu.wait_dma2 semaphore(%run_scoped3A : memref<!tpu.dma_semaphore, #tpu.memory_space<semaphore_mem>>) src(%arg6 : memref<64x512xf32, #tpu.memory_space<vmem>>) dst(%dma_wait3A_30 : memref<64x512xf32, #tpu.memory_space<hbm>>)
      tpu.yield
    }) : () -> ()
    %mul3A_11 = arith.constant 2 : i32
    %mul3A_12 = arith.muli %add3A, %mul3A_11 : i32
    %add3A_13 = arith.constant 1 : i32
    %add3A_14 = arith.addi %mul3A_12, %add3A_13 : i32
    %mul3A_15 = arith.constant 64 : i32
    %mul3A_16 = arith.muli %add3A_14, %mul3A_15 : i32
    "tpu.region"() ({
      %run_scoped3A = tpu.sem_alloc : memref<!tpu.dma_semaphore, #tpu.memory_space<semaphore_mem>>
      %dma_start3A_23 = tpu.memref_slice %arg3[%mul3A_16] : memref<4096xi32, #tpu.memory_space<hbm>> -> memref<64xi32, #tpu.memory_space<hbm>>
      %dma_start3A_24 = tpu.memref_slice %arg3[%mul3A_16] : memref<4096xi32, #tpu.memory_space<hbm>> -> memref<64xi32, #tpu.memory_space<hbm>>
      tpu.enqueue_dma source(%dma_start3A_24 : memref<64xi32, #tpu.memory_space<hbm>>) target(%arg5 : memref<64xi32, #tpu.memory_space<vmem>>) target_semaphore(%run_scoped3A : memref<!tpu.dma_semaphore, #tpu.memory_space<semaphore_mem>>)
      %dma_wait3A_25 = tpu.memref_slice %arg3[%mul3A_16] : memref<4096xi32, #tpu.memory_space<hbm>> -> memref<64xi32, #tpu.memory_space<hbm>>
      %dma_wait3A_26 = tpu.memref_slice %arg3[%mul3A_16] : memref<4096xi32, #tpu.memory_space<hbm>> -> memref<64xi32, #tpu.memory_space<hbm>>
      tpu.wait_dma2 semaphore(%run_scoped3A : memref<!tpu.dma_semaphore, #tpu.memory_space<semaphore_mem>>) src(%dma_wait3A_26 : memref<64xi32, #tpu.memory_space<hbm>>) dst(%arg5 : memref<64xi32, #tpu.memory_space<vmem>>)
      tpu.yield
    }) : () -> ()
    %dma_start3A_17 = arith.constant 0 : i32
    %dma_start3A_18 = arith.constant 0 : i32
    %dma_start3A_19 = tpu.memref_slice %arg2[%dma_start3A_17, %dma_start3A_18] : memref<4096x512xf32, #tpu.memory_space<hbm>> -> memref<4096x512xf32, #tpu.memory_space<hbm>>
    tpu.enqueue_indirect_dma source(%dma_start3A_19 : memref<4096x512xf32, #tpu.memory_space<hbm>>) target(%arg6 : memref<64x512xf32, #tpu.memory_space<vmem>>) offsets(%arg5 : memref<64xi32, #tpu.memory_space<vmem>>) semaphore(%arg7 : memref<!tpu.dma_semaphore, #tpu.memory_space<semaphore_mem>>)
    %dma_wait3A_20 = arith.constant 0 : i32
    %dma_wait3A_21 = arith.constant 0 : i32
    %dma_wait3A_22 = tpu.memref_slice %arg2[%dma_wait3A_20, %dma_wait3A_21] : memref<4096x512xf32, #tpu.memory_space<hbm>> -> memref<4096x512xf32, #tpu.memory_space<hbm>>
    tpu.wait_indirect_dma semaphore(%arg7 : memref<!tpu.dma_semaphore, #tpu.memory_space<semaphore_mem>>) src(%dma_wait3A_22 : memref<4096x512xf32, #tpu.memory_space<hbm>>) dst(%arg6 : memref<64x512xf32, #tpu.memory_space<vmem>>)
    "tpu.region"() ({
      %run_scoped3A = tpu.sem_alloc : memref<!tpu.dma_semaphore, #tpu.memory_space<semaphore_mem>>
      %dma_start3A_23 = arith.constant 0 : i32
      %dma_start3A_24 = tpu.memref_slice %arg4[%mul3A_16, %dma_start3A_23] : memref<4096x512xf32, #tpu.memory_space<hbm>> -> memref<64x512xf32, #tpu.memory_space<hbm>>
      %dma_start3A_25 = arith.constant 0 : i32
      %dma_start3A_26 = tpu.memref_slice %arg4[%mul3A_16, %dma_start3A_25] : memref<4096x512xf32, #tpu.memory_space<hbm>> -> memref<64x512xf32, #tpu.memory_space<hbm>>
      tpu.enqueue_dma source(%arg6 : memref<64x512xf32, #tpu.memory_space<vmem>>) target(%dma_start3A_26 : memref<64x512xf32, #tpu.memory_space<hbm>>) target_semaphore(%run_scoped3A : memref<!tpu.dma_semaphore, #tpu.memory_space<semaphore_mem>>)
      %dma_wait3A_27 = arith.constant 0 : i32
      %dma_wait3A_28 = tpu.memref_slice %arg4[%mul3A_16, %dma_wait3A_27] : memref<4096x512xf32, #tpu.memory_space<hbm>> -> memref<64x512xf32, #tpu.memory_space<hbm>>
      %dma_wait3A_29 = arith.constant 0 : i32
      %dma_wait3A_30 = tpu.memref_slice %arg4[%mul3A_16, %dma_wait3A_29] : memref<4096x512xf32, #tpu.memory_space<hbm>> -> memref<64x512xf32, #tpu.memory_space<hbm>>
      tpu.wait_dma2 semaphore(%run_scoped3A : memref<!tpu.dma_semaphore, #tpu.memory_space<semaphore_mem>>) src(%arg6 : memref<64x512xf32, #tpu.memory_space<vmem>>) dst(%dma_wait3A_30 : memref<64x512xf32, #tpu.memory_space<hbm>>)
      tpu.yield
    }) : () -> ()
    return
  }
}

#map = affine_map<(d0, d1) -> (0, 0)>
#map1 = affine_map<(d0, d1) -> (0)>
module attributes {stable_mosaic.version = 14 : i64} {
  func.func @k(%arg0: i32, %arg1: i32, %arg2: memref<2048x1024xf32, #tpu.memory_space<hbm>>, %arg3: memref<4096xi32, #tpu.memory_space<hbm>>, %arg4: memref<4096x1024xf32, #tpu.memory_space<hbm>>, %arg5: memref<64xi32, #tpu.memory_space<vmem>>, %arg6: memref<64x1024xf32, #tpu.memory_space<vmem>>, %arg7: memref<!tpu.dma_semaphore, #tpu.memory_space<semaphore_mem>>) attributes {dimension_semantics = [#tpu.dimension_semantics<core_parallel>, #tpu.dimension_semantics<subcore_parallel>], iteration_bounds = array<i64: 2, 16>, scalar_prefetch = 0 : i64, scratch_operands = 3 : i64, tpu.core_type = #tpu.core_type<sc_vector_subcore>, window_params = [{transform_indices = #map}, {transform_indices = #map1}, {transform_indices = #map}]} {
    %mul3A = arith.constant 2 : i32
    %mul3A_0 = arith.muli %arg1, %mul3A : i32
    %add3A = arith.addi %mul3A_0, %arg0 : i32
    %mul3A_1 = arith.constant 2 : i32
    %mul3A_2 = arith.muli %add3A, %mul3A_1 : i32
    %add3A_3 = arith.constant 0 : i32
    %add3A_4 = arith.addi %mul3A_2, %add3A_3 : i32
    %mul3A_5 = arith.constant 64 : i32
    %mul3A_6 = arith.muli %add3A_4, %mul3A_5 : i32
    "tpu.region"() ({
      %run_scoped3A = tpu.sem_alloc : memref<!tpu.dma_semaphore, #tpu.memory_space<semaphore_mem>>
      %dma_start3A_23 = tpu.memref_slice %arg3[%mul3A_6] : memref<4096xi32, #tpu.memory_space<hbm>> -> memref<64xi32, #tpu.memory_space<hbm>>
      %dma_start3A_24 = tpu.memref_slice %arg3[%mul3A_6] : memref<4096xi32, #tpu.memory_space<hbm>> -> memref<64xi32, #tpu.memory_space<hbm>>
      tpu.enqueue_dma source(%dma_start3A_24 : memref<64xi32, #tpu.memory_space<hbm>>) target(%arg5 : memref<64xi32, #tpu.memory_space<vmem>>) target_semaphore(%run_scoped3A : memref<!tpu.dma_semaphore, #tpu.memory_space<semaphore_mem>>)
      %dma_wait3A_25 = tpu.memref_slice %arg3[%mul3A_6] : memref<4096xi32, #tpu.memory_space<hbm>> -> memref<64xi32, #tpu.memory_space<hbm>>
      %dma_wait3A_26 = tpu.memref_slice %arg3[%mul3A_6] : memref<4096xi32, #tpu.memory_space<hbm>> -> memref<64xi32, #tpu.memory_space<hbm>>
      tpu.wait_dma2 semaphore(%run_scoped3A : memref<!tpu.dma_semaphore, #tpu.memory_space<semaphore_mem>>) src(%dma_wait3A_26 : memref<64xi32, #tpu.memory_space<hbm>>) dst(%arg5 : memref<64xi32, #tpu.memory_space<vmem>>)
      tpu.yield
    }) : () -> ()
    %dma_start3A = arith.constant 0 : i32
    %dma_start3A_7 = arith.constant 0 : i32
    %dma_start3A_8 = tpu.memref_slice %arg2[%dma_start3A, %dma_start3A_7] : memref<2048x1024xf32, #tpu.memory_space<hbm>> -> memref<2048x1024xf32, #tpu.memory_space<hbm>>
    tpu.enqueue_indirect_dma source(%dma_start3A_8 : memref<2048x1024xf32, #tpu.memory_space<hbm>>) target(%arg6 : memref<64x1024xf32, #tpu.memory_space<vmem>>) offsets(%arg5 : memref<64xi32, #tpu.memory_space<vmem>>) semaphore(%arg7 : memref<!tpu.dma_semaphore, #tpu.memory_space<semaphore_mem>>)
    %dma_wait3A = arith.constant 0 : i32
    %dma_wait3A_9 = arith.constant 0 : i32
    %dma_wait3A_10 = tpu.memref_slice %arg2[%dma_wait3A, %dma_wait3A_9] : memref<2048x1024xf32, #tpu.memory_space<hbm>> -> memref<2048x1024xf32, #tpu.memory_space<hbm>>
    tpu.wait_indirect_dma semaphore(%arg7 : memref<!tpu.dma_semaphore, #tpu.memory_space<semaphore_mem>>) src(%dma_wait3A_10 : memref<2048x1024xf32, #tpu.memory_space<hbm>>) dst(%arg6 : memref<64x1024xf32, #tpu.memory_space<vmem>>)
    "tpu.region"() ({
      %run_scoped3A = tpu.sem_alloc : memref<!tpu.dma_semaphore, #tpu.memory_space<semaphore_mem>>
      %dma_start3A_23 = arith.constant 0 : i32
      %dma_start3A_24 = tpu.memref_slice %arg4[%mul3A_6, %dma_start3A_23] : memref<4096x1024xf32, #tpu.memory_space<hbm>> -> memref<64x1024xf32, #tpu.memory_space<hbm>>
      %dma_start3A_25 = arith.constant 0 : i32
      %dma_start3A_26 = tpu.memref_slice %arg4[%mul3A_6, %dma_start3A_25] : memref<4096x1024xf32, #tpu.memory_space<hbm>> -> memref<64x1024xf32, #tpu.memory_space<hbm>>
      tpu.enqueue_dma source(%arg6 : memref<64x1024xf32, #tpu.memory_space<vmem>>) target(%dma_start3A_26 : memref<64x1024xf32, #tpu.memory_space<hbm>>) target_semaphore(%run_scoped3A : memref<!tpu.dma_semaphore, #tpu.memory_space<semaphore_mem>>)
      %dma_wait3A_27 = arith.constant 0 : i32
      %dma_wait3A_28 = tpu.memref_slice %arg4[%mul3A_6, %dma_wait3A_27] : memref<4096x1024xf32, #tpu.memory_space<hbm>> -> memref<64x1024xf32, #tpu.memory_space<hbm>>
      %dma_wait3A_29 = arith.constant 0 : i32
      %dma_wait3A_30 = tpu.memref_slice %arg4[%mul3A_6, %dma_wait3A_29] : memref<4096x1024xf32, #tpu.memory_space<hbm>> -> memref<64x1024xf32, #tpu.memory_space<hbm>>
      tpu.wait_dma2 semaphore(%run_scoped3A : memref<!tpu.dma_semaphore, #tpu.memory_space<semaphore_mem>>) src(%arg6 : memref<64x1024xf32, #tpu.memory_space<vmem>>) dst(%dma_wait3A_30 : memref<64x1024xf32, #tpu.memory_space<hbm>>)
      tpu.yield
    }) : () -> ()
    %mul3A_11 = arith.constant 2 : i32
    %mul3A_12 = arith.muli %add3A, %mul3A_11 : i32
    %add3A_13 = arith.constant 1 : i32
    %add3A_14 = arith.addi %mul3A_12, %add3A_13 : i32
    %mul3A_15 = arith.constant 64 : i32
    %mul3A_16 = arith.muli %add3A_14, %mul3A_15 : i32
    "tpu.region"() ({
      %run_scoped3A = tpu.sem_alloc : memref<!tpu.dma_semaphore, #tpu.memory_space<semaphore_mem>>
      %dma_start3A_23 = tpu.memref_slice %arg3[%mul3A_16] : memref<4096xi32, #tpu.memory_space<hbm>> -> memref<64xi32, #tpu.memory_space<hbm>>
      %dma_start3A_24 = tpu.memref_slice %arg3[%mul3A_16] : memref<4096xi32, #tpu.memory_space<hbm>> -> memref<64xi32, #tpu.memory_space<hbm>>
      tpu.enqueue_dma source(%dma_start3A_24 : memref<64xi32, #tpu.memory_space<hbm>>) target(%arg5 : memref<64xi32, #tpu.memory_space<vmem>>) target_semaphore(%run_scoped3A : memref<!tpu.dma_semaphore, #tpu.memory_space<semaphore_mem>>)
      %dma_wait3A_25 = tpu.memref_slice %arg3[%mul3A_16] : memref<4096xi32, #tpu.memory_space<hbm>> -> memref<64xi32, #tpu.memory_space<hbm>>
      %dma_wait3A_26 = tpu.memref_slice %arg3[%mul3A_16] : memref<4096xi32, #tpu.memory_space<hbm>> -> memref<64xi32, #tpu.memory_space<hbm>>
      tpu.wait_dma2 semaphore(%run_scoped3A : memref<!tpu.dma_semaphore, #tpu.memory_space<semaphore_mem>>) src(%dma_wait3A_26 : memref<64xi32, #tpu.memory_space<hbm>>) dst(%arg5 : memref<64xi32, #tpu.memory_space<vmem>>)
      tpu.yield
    }) : () -> ()
    %dma_start3A_17 = arith.constant 0 : i32
    %dma_start3A_18 = arith.constant 0 : i32
    %dma_start3A_19 = tpu.memref_slice %arg2[%dma_start3A_17, %dma_start3A_18] : memref<2048x1024xf32, #tpu.memory_space<hbm>> -> memref<2048x1024xf32, #tpu.memory_space<hbm>>
    tpu.enqueue_indirect_dma source(%dma_start3A_19 : memref<2048x1024xf32, #tpu.memory_space<hbm>>) target(%arg6 : memref<64x1024xf32, #tpu.memory_space<vmem>>) offsets(%arg5 : memref<64xi32, #tpu.memory_space<vmem>>) semaphore(%arg7 : memref<!tpu.dma_semaphore, #tpu.memory_space<semaphore_mem>>)
    %dma_wait3A_20 = arith.constant 0 : i32
    %dma_wait3A_21 = arith.constant 0 : i32
    %dma_wait3A_22 = tpu.memref_slice %arg2[%dma_wait3A_20, %dma_wait3A_21] : memref<2048x1024xf32, #tpu.memory_space<hbm>> -> memref<2048x1024xf32, #tpu.memory_space<hbm>>
    tpu.wait_indirect_dma semaphore(%arg7 : memref<!tpu.dma_semaphore, #tpu.memory_space<semaphore_mem>>) src(%dma_wait3A_22 : memref<2048x1024xf32, #tpu.memory_space<hbm>>) dst(%arg6 : memref<64x1024xf32, #tpu.memory_space<vmem>>)
    "tpu.region"() ({
      %run_scoped3A = tpu.sem_alloc : memref<!tpu.dma_semaphore, #tpu.memory_space<semaphore_mem>>
      %dma_start3A_23 = arith.constant 0 : i32
      %dma_start3A_24 = tpu.memref_slice %arg4[%mul3A_16, %dma_start3A_23] : memref<4096x1024xf32, #tpu.memory_space<hbm>> -> memref<64x1024xf32, #tpu.memory_space<hbm>>
      %dma_start3A_25 = arith.constant 0 : i32
      %dma_start3A_26 = tpu.memref_slice %arg4[%mul3A_16, %dma_start3A_25] : memref<4096x1024xf32, #tpu.memory_space<hbm>> -> memref<64x1024xf32, #tpu.memory_space<hbm>>
      tpu.enqueue_dma source(%arg6 : memref<64x1024xf32, #tpu.memory_space<vmem>>) target(%dma_start3A_26 : memref<64x1024xf32, #tpu.memory_space<hbm>>) target_semaphore(%run_scoped3A : memref<!tpu.dma_semaphore, #tpu.memory_space<semaphore_mem>>)
      %dma_wait3A_27 = arith.constant 0 : i32
      %dma_wait3A_28 = tpu.memref_slice %arg4[%mul3A_16, %dma_wait3A_27] : memref<4096x1024xf32, #tpu.memory_space<hbm>> -> memref<64x1024xf32, #tpu.memory_space<hbm>>
      %dma_wait3A_29 = arith.constant 0 : i32
      %dma_wait3A_30 = tpu.memref_slice %arg4[%mul3A_16, %dma_wait3A_29] : memref<4096x1024xf32, #tpu.memory_space<hbm>> -> memref<64x1024xf32, #tpu.memory_space<hbm>>
      tpu.wait_dma2 semaphore(%run_scoped3A : memref<!tpu.dma_semaphore, #tpu.memory_space<semaphore_mem>>) src(%arg6 : memref<64x1024xf32, #tpu.memory_space<vmem>>) dst(%dma_wait3A_30 : memref<64x1024xf32, #tpu.memory_space<hbm>>)
      tpu.yield
    }) : () -> ()
    return
  }
}

module attributes {stable_mosaic.version = 14 : i64} {
  func.func @_router_kernel(%arg0: memref<2048x1024xf32, #tpu.memory_space<vmem>>, %arg1: memref<1024x128xf32, #tpu.memory_space<vmem>>, %arg2: memref<8x512xi32, #tpu.memory_space<vmem>>, %arg3: memref<2048x2xi32, #tpu.memory_space<vmem>>, %arg4: memref<2048x2xf32, #tpu.memory_space<vmem>>, %arg5: memref<2048x1xf32, #tpu.memory_space<vmem>>) attributes {dimension_semantics = [], scalar_prefetch = 0 : i64, scratch_operands = 0 : i64, tpu.core_type = #tpu.core_type<tc>} {
    %get3A = arith.constant 0 : index
    %get3A_0 = arith.constant 0 : index
    %get3A_1 = vector.load %arg0[%get3A, %get3A_0] : memref<2048x1024xf32, #tpu.memory_space<vmem>>, vector<2048x1024xf32>
    %get3A_2 = arith.constant 0 : index
    %get3A_3 = arith.constant 0 : index
    %get3A_4 = vector.load %arg1[%get3A_2, %get3A_3] : memref<1024x128xf32, #tpu.memory_space<vmem>>, vector<1024x128xf32>
    %dot_general3A = arith.constant dense<0.000000e+00> : vector<2048x128xf32>
    %dot_general3A_5 = tpu.matmul %get3A_1, %get3A_4, %dot_general3A {dimension_numbers = #tpu.dot_dimension_numbers<[1], [0], [0], [1], [0, 0, 1, 1], [], []>, transpose_lhs_hint = false} : vector<2048x1024xf32>, vector<1024x128xf32>, vector<2048x128xf32> -> vector<2048x128xf32>
    %iota3A = tpu.iota {dimensions = array<i32: 1>} : vector<2048x128xi32>
    %lt3A = arith.constant 8 : i32
    %lt3A_6 = vector.broadcast %lt3A : i32 to vector<2048x128xi32>
    %lt3A_7 = arith.cmpi slt, %iota3A, %lt3A_6 : vector<2048x128xi32>
    %jit3A = arith.constant 0xFF800000 : f32
    %broadcast_in_dim3A = vector.broadcast %jit3A : f32 to vector<2048x128xf32>
    %select_n3A = arith.select %lt3A_7, %dot_general3A_5, %broadcast_in_dim3A : vector<2048x128xi1>, vector<2048x128xf32>
    %reduce_max3A = arith.constant dense<0xFF800000> : vector<2048xf32>
    %reduce_max3A_8 = vector.multi_reduction <maximumf>, %select_n3A, %reduce_max3A [1] : vector<2048x128xf32> to vector<2048xf32>
    %broadcast_in_dim3A_9 = vector.shape_cast %reduce_max3A_8 : vector<2048xf32> to vector<2048x1xf32>
    %sub3A = vector.broadcast %broadcast_in_dim3A_9 : vector<2048x1xf32> to vector<2048x128xf32>
    %sub3A_10 = arith.subf %select_n3A, %sub3A : vector<2048x128xf32>
    %exp3A = math.exp %sub3A_10 : vector<2048x128xf32>
    %reduce_sum3A = arith.constant dense<0.000000e+00> : vector<2048xf32>
    %reduce_sum3A_11 = vector.multi_reduction <add>, %exp3A, %reduce_sum3A [1] : vector<2048x128xf32> to vector<2048xf32>
    %broadcast_in_dim3A_12 = vector.shape_cast %reduce_sum3A_11 : vector<2048xf32> to vector<2048x1xf32>
    %div3A = vector.broadcast %broadcast_in_dim3A_12 : vector<2048x1xf32> to vector<2048x128xf32>
    %div3A_13 = arith.divf %exp3A, %div3A : vector<2048x128xf32>
    %ge3A = vector.broadcast %broadcast_in_dim3A_9 : vector<2048x1xf32> to vector<2048x128xf32>
    %ge3A_14 = arith.cmpf oge, %select_n3A, %ge3A : vector<2048x128xf32>
    %jit3A_15 = arith.constant 128 : i32
    %broadcast_in_dim3A_16 = vector.broadcast %jit3A_15 : i32 to vector<2048x128xi32>
    %select_n3A_17 = arith.select %ge3A_14, %iota3A, %broadcast_in_dim3A_16 : vector<2048x128xi1>, vector<2048x128xi32>
    %reduce_min3A = arith.constant dense<2147483647> : vector<2048xi32>
    %reduce_min3A_18 = vector.multi_reduction <minsi>, %select_n3A_17, %reduce_min3A [1] : vector<2048x128xi32> to vector<2048xi32>
    %broadcast_in_dim3A_19 = vector.shape_cast %reduce_min3A_18 : vector<2048xi32> to vector<2048x1xi32>
    %eq3A = vector.broadcast %broadcast_in_dim3A_19 : vector<2048x1xi32> to vector<2048x128xi32>
    %eq3A_20 = arith.cmpi eq, %iota3A, %eq3A : vector<2048x128xi32>
    %jit3A_21 = arith.constant 0xFF800000 : f32
    %broadcast_in_dim3A_22 = vector.broadcast %jit3A_21 : f32 to vector<2048x128xf32>
    %select_n3A_23 = arith.select %eq3A_20, %broadcast_in_dim3A_22, %select_n3A : vector<2048x128xi1>, vector<2048x128xf32>
    %reduce_max3A_24 = arith.constant dense<0xFF800000> : vector<2048xf32>
    %reduce_max3A_25 = vector.multi_reduction <maximumf>, %select_n3A_23, %reduce_max3A_24 [1] : vector<2048x128xf32> to vector<2048xf32>
    %broadcast_in_dim3A_26 = vector.shape_cast %reduce_max3A_25 : vector<2048xf32> to vector<2048x1xf32>
    %ge3A_27 = vector.broadcast %broadcast_in_dim3A_26 : vector<2048x1xf32> to vector<2048x128xf32>
    %ge3A_28 = arith.cmpf oge, %select_n3A_23, %ge3A_27 : vector<2048x128xf32>
    %jit3A_29 = arith.constant 128 : i32
    %broadcast_in_dim3A_30 = vector.broadcast %jit3A_29 : i32 to vector<2048x128xi32>
    %select_n3A_31 = arith.select %ge3A_28, %iota3A, %broadcast_in_dim3A_30 : vector<2048x128xi1>, vector<2048x128xi32>
    %reduce_min3A_32 = arith.constant dense<2147483647> : vector<2048xi32>
    %reduce_min3A_33 = vector.multi_reduction <minsi>, %select_n3A_31, %reduce_min3A_32 [1] : vector<2048x128xi32> to vector<2048xi32>
    %broadcast_in_dim3A_34 = vector.shape_cast %reduce_min3A_33 : vector<2048xi32> to vector<2048x1xi32>
    %eq3A_35 = vector.broadcast %broadcast_in_dim3A_19 : vector<2048x1xi32> to vector<2048x128xi32>
    %eq3A_36 = arith.cmpi eq, %iota3A, %eq3A_35 : vector<2048x128xi32>
    %eq3A_37 = vector.broadcast %broadcast_in_dim3A_34 : vector<2048x1xi32> to vector<2048x128xi32>
    %eq3A_38 = arith.cmpi eq, %iota3A, %eq3A_37 : vector<2048x128xi32>
    %or3A = arith.ori %eq3A_36, %eq3A_38 : vector<2048x128xi1>
    %convert_element_type3A = arith.extui %or3A : vector<2048x128xi1> to vector<2048x128xi32>
    %convert_element_type3A_39 = arith.sitofp %convert_element_type3A : vector<2048x128xi32> to vector<2048x128xf32>
    %add3A = arith.constant 0.000000e+00 : f32
    %add3A_40 = vector.broadcast %add3A : f32 to vector<2048x128xf32>
    %add3A_41 = arith.addf %dot_general3A_5, %add3A_40 : vector<2048x128xf32>
    %bitcast_convert_type3A = tpu.bitcast %add3A_41 : vector<2048x128xf32> -> vector<2048x128xi32>
    %lt3A_42 = arith.constant 0 : i32
    %lt3A_43 = vector.broadcast %lt3A_42 : i32 to vector<2048x128xi32>
    %lt3A_44 = arith.cmpi slt, %bitcast_convert_type3A, %lt3A_43 : vector<2048x128xi32>
    %not3A = arith.constant dense<-1> : vector<2048x128xi32>
    %not3A_45 = arith.xori %bitcast_convert_type3A, %not3A : vector<2048x128xi32>
    %xor3A = arith.constant -2147483648 : i32
    %xor3A_46 = vector.broadcast %xor3A : i32 to vector<2048x128xi32>
    %xor3A_47 = arith.xori %not3A_45, %xor3A_46 : vector<2048x128xi32>
    %select_n3A_48 = arith.select %lt3A_44, %xor3A_47, %bitcast_convert_type3A : vector<2048x128xi1>, vector<2048x128xi32>
    %lt3A_49 = arith.constant 8 : i32
    %lt3A_50 = vector.broadcast %lt3A_49 : i32 to vector<2048x128xi32>
    %lt3A_51 = arith.cmpi slt, %iota3A, %lt3A_50 : vector<2048x128xi32>
    %and3A = arith.andi %or3A, %lt3A_51 : vector<2048x128xi1>
    %jit3A_52 = arith.constant -2147483648 : i32
    %broadcast_in_dim3A_53 = vector.broadcast %jit3A_52 : i32 to vector<2048x128xi32>
    %select_n3A_54 = arith.select %and3A, %select_n3A_48, %broadcast_in_dim3A_53 : vector<2048x128xi1>, vector<2048x128xi32>
    %broadcast_in_dim3A_55 = arith.constant -2147483648 : i32
    %broadcast_in_dim3A_56 = vector.broadcast %broadcast_in_dim3A_55 : i32 to vector<1x128xi32>
    %scan3A = arith.constant 0 : i32
    %scan3A_57 = arith.constant 32 : i32
    %scan3A_58 = arith.addi %scan3A, %scan3A_57 : i32
    %scan3A_59 = arith.constant 1 : i32
    %scan3A_60 = scf.for %scan3A_488 = %scan3A to %scan3A_58 step %scan3A_59 iter_args(%scan3A_489 = %broadcast_in_dim3A_56) -> (vector<1x128xi32>)  : i32 {
      %sub3A_490 = arith.constant 31 : i32
      %sub3A_491 = arith.subi %sub3A_490, %scan3A_488 : i32
      %shift_left3A = arith.constant 1 : i32
      %shift_left3A_492 = arith.shli %shift_left3A, %sub3A_491 : i32
      %add3A_493 = vector.broadcast %shift_left3A_492 : i32 to vector<1x128xi32>
      %add3A_494 = arith.addi %scan3A_489, %add3A_493 : vector<1x128xi32>
      %ge3A_495 = vector.broadcast %add3A_494 : vector<1x128xi32> to vector<2048x128xi32>
      %ge3A_496 = arith.cmpi sge, %select_n3A_54, %ge3A_495 : vector<2048x128xi32>
      %convert_element_type3A_497 = arith.extui %ge3A_496 : vector<2048x128xi1> to vector<2048x128xi32>
      %convert_element_type3A_498 = arith.sitofp %convert_element_type3A_497 : vector<2048x128xi32> to vector<2048x128xf32>
      %reduce_sum3A_499 = arith.constant dense<0.000000e+00> : vector<128xf32>
      %reduce_sum3A_500 = vector.multi_reduction <add>, %convert_element_type3A_498, %reduce_sum3A_499 [0] : vector<2048x128xf32> to vector<128xf32>
      %broadcast_in_dim3A_501 = vector.shape_cast %reduce_sum3A_500 : vector<128xf32> to vector<1x128xf32>
      %ge3A_502 = arith.constant 5.120000e+02 : f32
      %ge3A_503 = vector.broadcast %ge3A_502 : f32 to vector<1x128xf32>
      %ge3A_504 = arith.cmpf oge, %broadcast_in_dim3A_501, %ge3A_503 : vector<1x128xf32>
      %select_n3A_505 = arith.select %ge3A_504, %add3A_494, %scan3A_489 : vector<1x128xi1>, vector<1x128xi32>
      scf.yield %select_n3A_505 : vector<1x128xi32>
    }
    %scan3A_61 = arith.constant 32 : i32
    %gt3A = vector.broadcast %scan3A_60 : vector<1x128xi32> to vector<2048x128xi32>
    %gt3A_62 = arith.cmpi sgt, %select_n3A_54, %gt3A : vector<2048x128xi32>
    %convert_element_type3A_63 = arith.extui %gt3A_62 : vector<2048x128xi1> to vector<2048x128xi32>
    %convert_element_type3A_64 = arith.sitofp %convert_element_type3A_63 : vector<2048x128xi32> to vector<2048x128xf32>
    %eq3A_65 = vector.broadcast %scan3A_60 : vector<1x128xi32> to vector<2048x128xi32>
    %eq3A_66 = arith.cmpi eq, %select_n3A_54, %eq3A_65 : vector<2048x128xi32>
    %convert_element_type3A_67 = arith.extui %eq3A_66 : vector<2048x128xi1> to vector<2048x128xi32>
    %convert_element_type3A_68 = arith.sitofp %convert_element_type3A_67 : vector<2048x128xi32> to vector<2048x128xf32>
    %reduce_sum3A_69 = arith.constant dense<0.000000e+00> : vector<128xf32>
    %reduce_sum3A_70 = vector.multi_reduction <add>, %convert_element_type3A_64, %reduce_sum3A_69 [0] : vector<2048x128xf32> to vector<128xf32>
    %broadcast_in_dim3A_71 = vector.shape_cast %reduce_sum3A_70 : vector<128xf32> to vector<1x128xf32>
    %iota3A_72 = tpu.iota {dimensions = array<i32: 1>} : vector<256x256xi32>
    %iota3A_73 = tpu.iota {dimensions = array<i32: 0>} : vector<256x256xi32>
    %lt3A_74 = arith.cmpi slt, %iota3A_72, %iota3A_73 : vector<256x256xi32>
    %convert_element_type3A_75 = arith.extui %lt3A_74 : vector<256x256xi1> to vector<256x256xi32>
    %convert_element_type3A_76 = arith.sitofp %convert_element_type3A_75 : vector<256x256xi32> to vector<256x256xf32>
    %convert_element_type3A_77 = arith.truncf %convert_element_type3A_76 : vector<256x256xf32> to vector<256x256xbf16>
    %convert_element_type3A_78 = arith.truncf %convert_element_type3A_68 : vector<2048x128xf32> to vector<2048x128xbf16>
    %broadcast_in_dim3A_79 = arith.constant 0.000000e+00 : f32
    %broadcast_in_dim3A_80 = vector.broadcast %broadcast_in_dim3A_79 : f32 to vector<1x128xf32>
    %slice3A = vector.extract_strided_slice %convert_element_type3A_78 {offsets = [0, 0], sizes = [256, 128], strides = [1, 1]} : vector<2048x128xbf16> to vector<256x128xbf16>
    %dot_general3A_81 = arith.constant dense<0.000000e+00> : vector<256x128xf32>
    %dot_general3A_82 = tpu.matmul %convert_element_type3A_77, %slice3A, %dot_general3A_81 {dimension_numbers = #tpu.dot_dimension_numbers<[1], [0], [0], [1], [0, 0, 1, 1], [], []>, transpose_lhs_hint = false} : vector<256x256xbf16>, vector<256x128xbf16>, vector<256x128xf32> -> vector<256x128xf32>
    %add3A_83 = vector.broadcast %broadcast_in_dim3A_80 : vector<1x128xf32> to vector<256x128xf32>
    %add3A_84 = arith.addf %dot_general3A_82, %add3A_83 : vector<256x128xf32>
    %slice3A_85 = vector.extract_strided_slice %convert_element_type3A_68 {offsets = [0, 0], sizes = [256, 128], strides = [1, 1]} : vector<2048x128xf32> to vector<256x128xf32>
    %reduce_sum3A_86 = arith.constant dense<0.000000e+00> : vector<128xf32>
    %reduce_sum3A_87 = vector.multi_reduction <add>, %slice3A_85, %reduce_sum3A_86 [0] : vector<256x128xf32> to vector<128xf32>
    %broadcast_in_dim3A_88 = vector.shape_cast %reduce_sum3A_87 : vector<128xf32> to vector<1x128xf32>
    %add3A_89 = arith.addf %broadcast_in_dim3A_80, %broadcast_in_dim3A_88 : vector<1x128xf32>
    %slice3A_90 = vector.extract_strided_slice %convert_element_type3A_78 {offsets = [256, 0], sizes = [256, 128], strides = [1, 1]} : vector<2048x128xbf16> to vector<256x128xbf16>
    %dot_general3A_91 = arith.constant dense<0.000000e+00> : vector<256x128xf32>
    %dot_general3A_92 = tpu.matmul %convert_element_type3A_77, %slice3A_90, %dot_general3A_91 {dimension_numbers = #tpu.dot_dimension_numbers<[1], [0], [0], [1], [0, 0, 1, 1], [], []>, transpose_lhs_hint = false} : vector<256x256xbf16>, vector<256x128xbf16>, vector<256x128xf32> -> vector<256x128xf32>
    %add3A_93 = vector.broadcast %add3A_89 : vector<1x128xf32> to vector<256x128xf32>
    %add3A_94 = arith.addf %dot_general3A_92, %add3A_93 : vector<256x128xf32>
    %slice3A_95 = vector.extract_strided_slice %convert_element_type3A_68 {offsets = [256, 0], sizes = [256, 128], strides = [1, 1]} : vector<2048x128xf32> to vector<256x128xf32>
    %reduce_sum3A_96 = arith.constant dense<0.000000e+00> : vector<128xf32>
    %reduce_sum3A_97 = vector.multi_reduction <add>, %slice3A_95, %reduce_sum3A_96 [0] : vector<256x128xf32> to vector<128xf32>
    %broadcast_in_dim3A_98 = vector.shape_cast %reduce_sum3A_97 : vector<128xf32> to vector<1x128xf32>
    %add3A_99 = arith.addf %add3A_89, %broadcast_in_dim3A_98 : vector<1x128xf32>
    %slice3A_100 = vector.extract_strided_slice %convert_element_type3A_78 {offsets = [512, 0], sizes = [256, 128], strides = [1, 1]} : vector<2048x128xbf16> to vector<256x128xbf16>
    %dot_general3A_101 = arith.constant dense<0.000000e+00> : vector<256x128xf32>
    %dot_general3A_102 = tpu.matmul %convert_element_type3A_77, %slice3A_100, %dot_general3A_101 {dimension_numbers = #tpu.dot_dimension_numbers<[1], [0], [0], [1], [0, 0, 1, 1], [], []>, transpose_lhs_hint = false} : vector<256x256xbf16>, vector<256x128xbf16>, vector<256x128xf32> -> vector<256x128xf32>
    %add3A_103 = vector.broadcast %add3A_99 : vector<1x128xf32> to vector<256x128xf32>
    %add3A_104 = arith.addf %dot_general3A_102, %add3A_103 : vector<256x128xf32>
    %slice3A_105 = vector.extract_strided_slice %convert_element_type3A_68 {offsets = [512, 0], sizes = [256, 128], strides = [1, 1]} : vector<2048x128xf32> to vector<256x128xf32>
    %reduce_sum3A_106 = arith.constant dense<0.000000e+00> : vector<128xf32>
    %reduce_sum3A_107 = vector.multi_reduction <add>, %slice3A_105, %reduce_sum3A_106 [0] : vector<256x128xf32> to vector<128xf32>
    %broadcast_in_dim3A_108 = vector.shape_cast %reduce_sum3A_107 : vector<128xf32> to vector<1x128xf32>
    %add3A_109 = arith.addf %add3A_99, %broadcast_in_dim3A_108 : vector<1x128xf32>
    %slice3A_110 = vector.extract_strided_slice %convert_element_type3A_78 {offsets = [768, 0], sizes = [256, 128], strides = [1, 1]} : vector<2048x128xbf16> to vector<256x128xbf16>
    %dot_general3A_111 = arith.constant dense<0.000000e+00> : vector<256x128xf32>
    %dot_general3A_112 = tpu.matmul %convert_element_type3A_77, %slice3A_110, %dot_general3A_111 {dimension_numbers = #tpu.dot_dimension_numbers<[1], [0], [0], [1], [0, 0, 1, 1], [], []>, transpose_lhs_hint = false} : vector<256x256xbf16>, vector<256x128xbf16>, vector<256x128xf32> -> vector<256x128xf32>
    %add3A_113 = vector.broadcast %add3A_109 : vector<1x128xf32> to vector<256x128xf32>
    %add3A_114 = arith.addf %dot_general3A_112, %add3A_113 : vector<256x128xf32>
    %slice3A_115 = vector.extract_strided_slice %convert_element_type3A_68 {offsets = [768, 0], sizes = [256, 128], strides = [1, 1]} : vector<2048x128xf32> to vector<256x128xf32>
    %reduce_sum3A_116 = arith.constant dense<0.000000e+00> : vector<128xf32>
    %reduce_sum3A_117 = vector.multi_reduction <add>, %slice3A_115, %reduce_sum3A_116 [0] : vector<256x128xf32> to vector<128xf32>
    %broadcast_in_dim3A_118 = vector.shape_cast %reduce_sum3A_117 : vector<128xf32> to vector<1x128xf32>
    %add3A_119 = arith.addf %add3A_109, %broadcast_in_dim3A_118 : vector<1x128xf32>
    %slice3A_120 = vector.extract_strided_slice %convert_element_type3A_78 {offsets = [1024, 0], sizes = [256, 128], strides = [1, 1]} : vector<2048x128xbf16> to vector<256x128xbf16>
    %dot_general3A_121 = arith.constant dense<0.000000e+00> : vector<256x128xf32>
    %dot_general3A_122 = tpu.matmul %convert_element_type3A_77, %slice3A_120, %dot_general3A_121 {dimension_numbers = #tpu.dot_dimension_numbers<[1], [0], [0], [1], [0, 0, 1, 1], [], []>, transpose_lhs_hint = false} : vector<256x256xbf16>, vector<256x128xbf16>, vector<256x128xf32> -> vector<256x128xf32>
    %add3A_123 = vector.broadcast %add3A_119 : vector<1x128xf32> to vector<256x128xf32>
    %add3A_124 = arith.addf %dot_general3A_122, %add3A_123 : vector<256x128xf32>
    %slice3A_125 = vector.extract_strided_slice %convert_element_type3A_68 {offsets = [1024, 0], sizes = [256, 128], strides = [1, 1]} : vector<2048x128xf32> to vector<256x128xf32>
    %reduce_sum3A_126 = arith.constant dense<0.000000e+00> : vector<128xf32>
    %reduce_sum3A_127 = vector.multi_reduction <add>, %slice3A_125, %reduce_sum3A_126 [0] : vector<256x128xf32> to vector<128xf32>
    %broadcast_in_dim3A_128 = vector.shape_cast %reduce_sum3A_127 : vector<128xf32> to vector<1x128xf32>
    %add3A_129 = arith.addf %add3A_119, %broadcast_in_dim3A_128 : vector<1x128xf32>
    %slice3A_130 = vector.extract_strided_slice %convert_element_type3A_78 {offsets = [1280, 0], sizes = [256, 128], strides = [1, 1]} : vector<2048x128xbf16> to vector<256x128xbf16>
    %dot_general3A_131 = arith.constant dense<0.000000e+00> : vector<256x128xf32>
    %dot_general3A_132 = tpu.matmul %convert_element_type3A_77, %slice3A_130, %dot_general3A_131 {dimension_numbers = #tpu.dot_dimension_numbers<[1], [0], [0], [1], [0, 0, 1, 1], [], []>, transpose_lhs_hint = false} : vector<256x256xbf16>, vector<256x128xbf16>, vector<256x128xf32> -> vector<256x128xf32>
    %add3A_133 = vector.broadcast %add3A_129 : vector<1x128xf32> to vector<256x128xf32>
    %add3A_134 = arith.addf %dot_general3A_132, %add3A_133 : vector<256x128xf32>
    %slice3A_135 = vector.extract_strided_slice %convert_element_type3A_68 {offsets = [1280, 0], sizes = [256, 128], strides = [1, 1]} : vector<2048x128xf32> to vector<256x128xf32>
    %reduce_sum3A_136 = arith.constant dense<0.000000e+00> : vector<128xf32>
    %reduce_sum3A_137 = vector.multi_reduction <add>, %slice3A_135, %reduce_sum3A_136 [0] : vector<256x128xf32> to vector<128xf32>
    %broadcast_in_dim3A_138 = vector.shape_cast %reduce_sum3A_137 : vector<128xf32> to vector<1x128xf32>
    %add3A_139 = arith.addf %add3A_129, %broadcast_in_dim3A_138 : vector<1x128xf32>
    %slice3A_140 = vector.extract_strided_slice %convert_element_type3A_78 {offsets = [1536, 0], sizes = [256, 128], strides = [1, 1]} : vector<2048x128xbf16> to vector<256x128xbf16>
    %dot_general3A_141 = arith.constant dense<0.000000e+00> : vector<256x128xf32>
    %dot_general3A_142 = tpu.matmul %convert_element_type3A_77, %slice3A_140, %dot_general3A_141 {dimension_numbers = #tpu.dot_dimension_numbers<[1], [0], [0], [1], [0, 0, 1, 1], [], []>, transpose_lhs_hint = false} : vector<256x256xbf16>, vector<256x128xbf16>, vector<256x128xf32> -> vector<256x128xf32>
    %add3A_143 = vector.broadcast %add3A_139 : vector<1x128xf32> to vector<256x128xf32>
    %add3A_144 = arith.addf %dot_general3A_142, %add3A_143 : vector<256x128xf32>
    %slice3A_145 = vector.extract_strided_slice %convert_element_type3A_68 {offsets = [1536, 0], sizes = [256, 128], strides = [1, 1]} : vector<2048x128xf32> to vector<256x128xf32>
    %reduce_sum3A_146 = arith.constant dense<0.000000e+00> : vector<128xf32>
    %reduce_sum3A_147 = vector.multi_reduction <add>, %slice3A_145, %reduce_sum3A_146 [0] : vector<256x128xf32> to vector<128xf32>
    %broadcast_in_dim3A_148 = vector.shape_cast %reduce_sum3A_147 : vector<128xf32> to vector<1x128xf32>
    %add3A_149 = arith.addf %add3A_139, %broadcast_in_dim3A_148 : vector<1x128xf32>
    %slice3A_150 = vector.extract_strided_slice %convert_element_type3A_78 {offsets = [1792, 0], sizes = [256, 128], strides = [1, 1]} : vector<2048x128xbf16> to vector<256x128xbf16>
    %dot_general3A_151 = arith.constant dense<0.000000e+00> : vector<256x128xf32>
    %dot_general3A_152 = tpu.matmul %convert_element_type3A_77, %slice3A_150, %dot_general3A_151 {dimension_numbers = #tpu.dot_dimension_numbers<[1], [0], [0], [1], [0, 0, 1, 1], [], []>, transpose_lhs_hint = false} : vector<256x256xbf16>, vector<256x128xbf16>, vector<256x128xf32> -> vector<256x128xf32>
    %add3A_153 = vector.broadcast %add3A_149 : vector<1x128xf32> to vector<256x128xf32>
    %add3A_154 = arith.addf %dot_general3A_152, %add3A_153 : vector<256x128xf32>
    %concatenate3A = tpu.concatenate %add3A_84, %add3A_94, %add3A_104, %add3A_114, %add3A_124, %add3A_134, %add3A_144, %add3A_154 in 0 : vector<256x128xf32>, vector<256x128xf32>, vector<256x128xf32>, vector<256x128xf32>, vector<256x128xf32>, vector<256x128xf32>, vector<256x128xf32>, vector<256x128xf32> -> vector<2048x128xf32>
    %sub3A_155 = arith.constant 5.120000e+02 : f32
    %sub3A_156 = vector.broadcast %sub3A_155 : f32 to vector<1x128xf32>
    %sub3A_157 = arith.subf %sub3A_156, %broadcast_in_dim3A_71 : vector<1x128xf32>
    %lt3A_158 = vector.broadcast %sub3A_157 : vector<1x128xf32> to vector<2048x128xf32>
    %lt3A_159 = arith.cmpf olt, %concatenate3A, %lt3A_158 : vector<2048x128xf32>
    %convert_element_type3A_160 = arith.extui %lt3A_159 : vector<2048x128xi1> to vector<2048x128xi32>
    %convert_element_type3A_161 = arith.sitofp %convert_element_type3A_160 : vector<2048x128xi32> to vector<2048x128xf32>
    %mul3A = arith.mulf %convert_element_type3A_68, %convert_element_type3A_161 : vector<2048x128xf32>
    %add3A_162 = arith.addf %convert_element_type3A_64, %mul3A : vector<2048x128xf32>
    %mul3A_163 = arith.mulf %add3A_162, %convert_element_type3A_39 : vector<2048x128xf32>
    %convert_element_type3A_164 = arith.truncf %mul3A_163 : vector<2048x128xf32> to vector<2048x128xbf16>
    %broadcast_in_dim3A_165 = arith.constant 0.000000e+00 : f32
    %broadcast_in_dim3A_166 = vector.broadcast %broadcast_in_dim3A_165 : f32 to vector<1x128xf32>
    %slice3A_167 = vector.extract_strided_slice %convert_element_type3A_164 {offsets = [0, 0], sizes = [256, 128], strides = [1, 1]} : vector<2048x128xbf16> to vector<256x128xbf16>
    %dot_general3A_168 = arith.constant dense<0.000000e+00> : vector<256x128xf32>
    %dot_general3A_169 = tpu.matmul %convert_element_type3A_77, %slice3A_167, %dot_general3A_168 {dimension_numbers = #tpu.dot_dimension_numbers<[1], [0], [0], [1], [0, 0, 1, 1], [], []>, transpose_lhs_hint = false} : vector<256x256xbf16>, vector<256x128xbf16>, vector<256x128xf32> -> vector<256x128xf32>
    %add3A_170 = vector.broadcast %broadcast_in_dim3A_166 : vector<1x128xf32> to vector<256x128xf32>
    %add3A_171 = arith.addf %dot_general3A_169, %add3A_170 : vector<256x128xf32>
    %slice3A_172 = vector.extract_strided_slice %mul3A_163 {offsets = [0, 0], sizes = [256, 128], strides = [1, 1]} : vector<2048x128xf32> to vector<256x128xf32>
    %reduce_sum3A_173 = arith.constant dense<0.000000e+00> : vector<128xf32>
    %reduce_sum3A_174 = vector.multi_reduction <add>, %slice3A_172, %reduce_sum3A_173 [0] : vector<256x128xf32> to vector<128xf32>
    %broadcast_in_dim3A_175 = vector.shape_cast %reduce_sum3A_174 : vector<128xf32> to vector<1x128xf32>
    %add3A_176 = arith.addf %broadcast_in_dim3A_166, %broadcast_in_dim3A_175 : vector<1x128xf32>
    %slice3A_177 = vector.extract_strided_slice %convert_element_type3A_164 {offsets = [256, 0], sizes = [256, 128], strides = [1, 1]} : vector<2048x128xbf16> to vector<256x128xbf16>
    %dot_general3A_178 = arith.constant dense<0.000000e+00> : vector<256x128xf32>
    %dot_general3A_179 = tpu.matmul %convert_element_type3A_77, %slice3A_177, %dot_general3A_178 {dimension_numbers = #tpu.dot_dimension_numbers<[1], [0], [0], [1], [0, 0, 1, 1], [], []>, transpose_lhs_hint = false} : vector<256x256xbf16>, vector<256x128xbf16>, vector<256x128xf32> -> vector<256x128xf32>
    %add3A_180 = vector.broadcast %add3A_176 : vector<1x128xf32> to vector<256x128xf32>
    %add3A_181 = arith.addf %dot_general3A_179, %add3A_180 : vector<256x128xf32>
    %slice3A_182 = vector.extract_strided_slice %mul3A_163 {offsets = [256, 0], sizes = [256, 128], strides = [1, 1]} : vector<2048x128xf32> to vector<256x128xf32>
    %reduce_sum3A_183 = arith.constant dense<0.000000e+00> : vector<128xf32>
    %reduce_sum3A_184 = vector.multi_reduction <add>, %slice3A_182, %reduce_sum3A_183 [0] : vector<256x128xf32> to vector<128xf32>
    %broadcast_in_dim3A_185 = vector.shape_cast %reduce_sum3A_184 : vector<128xf32> to vector<1x128xf32>
    %add3A_186 = arith.addf %add3A_176, %broadcast_in_dim3A_185 : vector<1x128xf32>
    %slice3A_187 = vector.extract_strided_slice %convert_element_type3A_164 {offsets = [512, 0], sizes = [256, 128], strides = [1, 1]} : vector<2048x128xbf16> to vector<256x128xbf16>
    %dot_general3A_188 = arith.constant dense<0.000000e+00> : vector<256x128xf32>
    %dot_general3A_189 = tpu.matmul %convert_element_type3A_77, %slice3A_187, %dot_general3A_188 {dimension_numbers = #tpu.dot_dimension_numbers<[1], [0], [0], [1], [0, 0, 1, 1], [], []>, transpose_lhs_hint = false} : vector<256x256xbf16>, vector<256x128xbf16>, vector<256x128xf32> -> vector<256x128xf32>
    %add3A_190 = vector.broadcast %add3A_186 : vector<1x128xf32> to vector<256x128xf32>
    %add3A_191 = arith.addf %dot_general3A_189, %add3A_190 : vector<256x128xf32>
    %slice3A_192 = vector.extract_strided_slice %mul3A_163 {offsets = [512, 0], sizes = [256, 128], strides = [1, 1]} : vector<2048x128xf32> to vector<256x128xf32>
    %reduce_sum3A_193 = arith.constant dense<0.000000e+00> : vector<128xf32>
    %reduce_sum3A_194 = vector.multi_reduction <add>, %slice3A_192, %reduce_sum3A_193 [0] : vector<256x128xf32> to vector<128xf32>
    %broadcast_in_dim3A_195 = vector.shape_cast %reduce_sum3A_194 : vector<128xf32> to vector<1x128xf32>
    %add3A_196 = arith.addf %add3A_186, %broadcast_in_dim3A_195 : vector<1x128xf32>
    %slice3A_197 = vector.extract_strided_slice %convert_element_type3A_164 {offsets = [768, 0], sizes = [256, 128], strides = [1, 1]} : vector<2048x128xbf16> to vector<256x128xbf16>
    %dot_general3A_198 = arith.constant dense<0.000000e+00> : vector<256x128xf32>
    %dot_general3A_199 = tpu.matmul %convert_element_type3A_77, %slice3A_197, %dot_general3A_198 {dimension_numbers = #tpu.dot_dimension_numbers<[1], [0], [0], [1], [0, 0, 1, 1], [], []>, transpose_lhs_hint = false} : vector<256x256xbf16>, vector<256x128xbf16>, vector<256x128xf32> -> vector<256x128xf32>
    %add3A_200 = vector.broadcast %add3A_196 : vector<1x128xf32> to vector<256x128xf32>
    %add3A_201 = arith.addf %dot_general3A_199, %add3A_200 : vector<256x128xf32>
    %slice3A_202 = vector.extract_strided_slice %mul3A_163 {offsets = [768, 0], sizes = [256, 128], strides = [1, 1]} : vector<2048x128xf32> to vector<256x128xf32>
    %reduce_sum3A_203 = arith.constant dense<0.000000e+00> : vector<128xf32>
    %reduce_sum3A_204 = vector.multi_reduction <add>, %slice3A_202, %reduce_sum3A_203 [0] : vector<256x128xf32> to vector<128xf32>
    %broadcast_in_dim3A_205 = vector.shape_cast %reduce_sum3A_204 : vector<128xf32> to vector<1x128xf32>
    %add3A_206 = arith.addf %add3A_196, %broadcast_in_dim3A_205 : vector<1x128xf32>
    %slice3A_207 = vector.extract_strided_slice %convert_element_type3A_164 {offsets = [1024, 0], sizes = [256, 128], strides = [1, 1]} : vector<2048x128xbf16> to vector<256x128xbf16>
    %dot_general3A_208 = arith.constant dense<0.000000e+00> : vector<256x128xf32>
    %dot_general3A_209 = tpu.matmul %convert_element_type3A_77, %slice3A_207, %dot_general3A_208 {dimension_numbers = #tpu.dot_dimension_numbers<[1], [0], [0], [1], [0, 0, 1, 1], [], []>, transpose_lhs_hint = false} : vector<256x256xbf16>, vector<256x128xbf16>, vector<256x128xf32> -> vector<256x128xf32>
    %add3A_210 = vector.broadcast %add3A_206 : vector<1x128xf32> to vector<256x128xf32>
    %add3A_211 = arith.addf %dot_general3A_209, %add3A_210 : vector<256x128xf32>
    %slice3A_212 = vector.extract_strided_slice %mul3A_163 {offsets = [1024, 0], sizes = [256, 128], strides = [1, 1]} : vector<2048x128xf32> to vector<256x128xf32>
    %reduce_sum3A_213 = arith.constant dense<0.000000e+00> : vector<128xf32>
    %reduce_sum3A_214 = vector.multi_reduction <add>, %slice3A_212, %reduce_sum3A_213 [0] : vector<256x128xf32> to vector<128xf32>
    %broadcast_in_dim3A_215 = vector.shape_cast %reduce_sum3A_214 : vector<128xf32> to vector<1x128xf32>
    %add3A_216 = arith.addf %add3A_206, %broadcast_in_dim3A_215 : vector<1x128xf32>
    %slice3A_217 = vector.extract_strided_slice %convert_element_type3A_164 {offsets = [1280, 0], sizes = [256, 128], strides = [1, 1]} : vector<2048x128xbf16> to vector<256x128xbf16>
    %dot_general3A_218 = arith.constant dense<0.000000e+00> : vector<256x128xf32>
    %dot_general3A_219 = tpu.matmul %convert_element_type3A_77, %slice3A_217, %dot_general3A_218 {dimension_numbers = #tpu.dot_dimension_numbers<[1], [0], [0], [1], [0, 0, 1, 1], [], []>, transpose_lhs_hint = false} : vector<256x256xbf16>, vector<256x128xbf16>, vector<256x128xf32> -> vector<256x128xf32>
    %add3A_220 = vector.broadcast %add3A_216 : vector<1x128xf32> to vector<256x128xf32>
    %add3A_221 = arith.addf %dot_general3A_219, %add3A_220 : vector<256x128xf32>
    %slice3A_222 = vector.extract_strided_slice %mul3A_163 {offsets = [1280, 0], sizes = [256, 128], strides = [1, 1]} : vector<2048x128xf32> to vector<256x128xf32>
    %reduce_sum3A_223 = arith.constant dense<0.000000e+00> : vector<128xf32>
    %reduce_sum3A_224 = vector.multi_reduction <add>, %slice3A_222, %reduce_sum3A_223 [0] : vector<256x128xf32> to vector<128xf32>
    %broadcast_in_dim3A_225 = vector.shape_cast %reduce_sum3A_224 : vector<128xf32> to vector<1x128xf32>
    %add3A_226 = arith.addf %add3A_216, %broadcast_in_dim3A_225 : vector<1x128xf32>
    %slice3A_227 = vector.extract_strided_slice %convert_element_type3A_164 {offsets = [1536, 0], sizes = [256, 128], strides = [1, 1]} : vector<2048x128xbf16> to vector<256x128xbf16>
    %dot_general3A_228 = arith.constant dense<0.000000e+00> : vector<256x128xf32>
    %dot_general3A_229 = tpu.matmul %convert_element_type3A_77, %slice3A_227, %dot_general3A_228 {dimension_numbers = #tpu.dot_dimension_numbers<[1], [0], [0], [1], [0, 0, 1, 1], [], []>, transpose_lhs_hint = false} : vector<256x256xbf16>, vector<256x128xbf16>, vector<256x128xf32> -> vector<256x128xf32>
    %add3A_230 = vector.broadcast %add3A_226 : vector<1x128xf32> to vector<256x128xf32>
    %add3A_231 = arith.addf %dot_general3A_229, %add3A_230 : vector<256x128xf32>
    %slice3A_232 = vector.extract_strided_slice %mul3A_163 {offsets = [1536, 0], sizes = [256, 128], strides = [1, 1]} : vector<2048x128xf32> to vector<256x128xf32>
    %reduce_sum3A_233 = arith.constant dense<0.000000e+00> : vector<128xf32>
    %reduce_sum3A_234 = vector.multi_reduction <add>, %slice3A_232, %reduce_sum3A_233 [0] : vector<256x128xf32> to vector<128xf32>
    %broadcast_in_dim3A_235 = vector.shape_cast %reduce_sum3A_234 : vector<128xf32> to vector<1x128xf32>
    %add3A_236 = arith.addf %add3A_226, %broadcast_in_dim3A_235 : vector<1x128xf32>
    %slice3A_237 = vector.extract_strided_slice %convert_element_type3A_164 {offsets = [1792, 0], sizes = [256, 128], strides = [1, 1]} : vector<2048x128xbf16> to vector<256x128xbf16>
    %dot_general3A_238 = arith.constant dense<0.000000e+00> : vector<256x128xf32>
    %dot_general3A_239 = tpu.matmul %convert_element_type3A_77, %slice3A_237, %dot_general3A_238 {dimension_numbers = #tpu.dot_dimension_numbers<[1], [0], [0], [1], [0, 0, 1, 1], [], []>, transpose_lhs_hint = false} : vector<256x256xbf16>, vector<256x128xbf16>, vector<256x128xf32> -> vector<256x128xf32>
    %add3A_240 = vector.broadcast %add3A_236 : vector<1x128xf32> to vector<256x128xf32>
    %add3A_241 = arith.addf %dot_general3A_239, %add3A_240 : vector<256x128xf32>
    %concatenate3A_242 = tpu.concatenate %add3A_171, %add3A_181, %add3A_191, %add3A_201, %add3A_211, %add3A_221, %add3A_231, %add3A_241 in 0 : vector<256x128xf32>, vector<256x128xf32>, vector<256x128xf32>, vector<256x128xf32>, vector<256x128xf32>, vector<256x128xf32>, vector<256x128xf32>, vector<256x128xf32> -> vector<2048x128xf32>
    %convert_element_type3A_243 = arith.fptosi %concatenate3A_242 : vector<2048x128xf32> to vector<2048x128xi32>
    %gt3A_244 = arith.constant 0.000000e+00 : f32
    %gt3A_245 = vector.broadcast %gt3A_244 : f32 to vector<2048x128xf32>
    %gt3A_246 = arith.cmpf ogt, %mul3A_163, %gt3A_245 : vector<2048x128xf32>
    %iota3A_247 = tpu.iota {dimensions = array<i32: 1>} : vector<2048x512xi32>
    %iota3A_248 = tpu.iota {dimensions = array<i32: 0>} : vector<2048x1xi32>
    %convert_element_type3A_249 = arith.sitofp %iota3A_248 : vector<2048x1xi32> to vector<2048x1xf32>
    %slice3A_250 = vector.extract_strided_slice %convert_element_type3A_243 {offsets = [0, 0], sizes = [2048, 1], strides = [1, 1]} : vector<2048x128xi32> to vector<2048x1xi32>
    %eq3A_251 = vector.broadcast %slice3A_250 : vector<2048x1xi32> to vector<2048x512xi32>
    %eq3A_252 = arith.cmpi eq, %eq3A_251, %iota3A_247 : vector<2048x512xi32>
    %slice3A_253 = vector.extract_strided_slice %gt3A_246 {offsets = [0, 0], sizes = [2048, 1], strides = [1, 1]} : vector<2048x128xi1> to vector<2048x1xi1>
    %and3A_254 = vector.broadcast %slice3A_253 : vector<2048x1xi1> to vector<2048x512xi1>
    %and3A_255 = arith.andi %eq3A_252, %and3A_254 : vector<2048x512xi1>
    %jit3A_256 = arith.constant 0.000000e+00 : f32
    %broadcast_in_dim3A_257 = vector.shape_cast %convert_element_type3A_249 : vector<2048x1xf32> to vector<2048x1xf32>
    %broadcast_in_dim3A_258 = vector.broadcast %broadcast_in_dim3A_257 : vector<2048x1xf32> to vector<2048x512xf32>
    %broadcast_in_dim3A_259 = vector.broadcast %jit3A_256 : f32 to vector<2048x512xf32>
    %select_n3A_260 = arith.select %and3A_255, %broadcast_in_dim3A_258, %broadcast_in_dim3A_259 : vector<2048x512xi1>, vector<2048x512xf32>
    %reduce_sum3A_261 = arith.constant dense<0.000000e+00> : vector<512xf32>
    %reduce_sum3A_262 = vector.multi_reduction <add>, %select_n3A_260, %reduce_sum3A_261 [0] : vector<2048x512xf32> to vector<512xf32>
    %broadcast_in_dim3A_263 = vector.shape_cast %reduce_sum3A_262 : vector<512xf32> to vector<1x512xf32>
    %convert_element_type3A_264 = arith.fptosi %broadcast_in_dim3A_263 : vector<1x512xf32> to vector<1x512xi32>
    %swap3A = arith.constant 0 : index
    %swap3A_265 = arith.constant 0 : index
    %swap3A_266 = vector.load %arg2[%swap3A, %swap3A_265] : memref<8x512xi32, #tpu.memory_space<vmem>>, vector<1x512xi32>
    tpu.vector_store %arg2[%swap3A, %swap3A_265], %convert_element_type3A_264 {strides = array<i32>} : memref<8x512xi32, #tpu.memory_space<vmem>>, vector<1x512xi32>,
    %slice3A_267 = vector.extract_strided_slice %convert_element_type3A_243 {offsets = [0, 1], sizes = [2048, 1], strides = [1, 1]} : vector<2048x128xi32> to vector<2048x1xi32>
    %eq3A_268 = vector.broadcast %slice3A_267 : vector<2048x1xi32> to vector<2048x512xi32>
    %eq3A_269 = arith.cmpi eq, %eq3A_268, %iota3A_247 : vector<2048x512xi32>
    %slice3A_270 = vector.extract_strided_slice %gt3A_246 {offsets = [0, 1], sizes = [2048, 1], strides = [1, 1]} : vector<2048x128xi1> to vector<2048x1xi1>
    %and3A_271 = vector.broadcast %slice3A_270 : vector<2048x1xi1> to vector<2048x512xi1>
    %and3A_272 = arith.andi %eq3A_269, %and3A_271 : vector<2048x512xi1>
    %jit3A_273 = arith.constant 0.000000e+00 : f32
    %broadcast_in_dim3A_274 = vector.shape_cast %convert_element_type3A_249 : vector<2048x1xf32> to vector<2048x1xf32>
    %broadcast_in_dim3A_275 = vector.broadcast %broadcast_in_dim3A_274 : vector<2048x1xf32> to vector<2048x512xf32>
    %broadcast_in_dim3A_276 = vector.broadcast %jit3A_273 : f32 to vector<2048x512xf32>
    %select_n3A_277 = arith.select %and3A_272, %broadcast_in_dim3A_275, %broadcast_in_dim3A_276 : vector<2048x512xi1>, vector<2048x512xf32>
    %reduce_sum3A_278 = arith.constant dense<0.000000e+00> : vector<512xf32>
    %reduce_sum3A_279 = vector.multi_reduction <add>, %select_n3A_277, %reduce_sum3A_278 [0] : vector<2048x512xf32> to vector<512xf32>
    %broadcast_in_dim3A_280 = vector.shape_cast %reduce_sum3A_279 : vector<512xf32> to vector<1x512xf32>
    %convert_element_type3A_281 = arith.fptosi %broadcast_in_dim3A_280 : vector<1x512xf32> to vector<1x512xi32>
    %swap3A_282 = arith.constant 1 : index
    %swap3A_283 = arith.constant 0 : index
    %swap3A_284 = vector.load %arg2[%swap3A_282, %swap3A_283] : memref<8x512xi32, #tpu.memory_space<vmem>>, vector<1x512xi32>
    tpu.vector_store %arg2[%swap3A_282, %swap3A_283], %convert_element_type3A_281 {strides = array<i32>} : memref<8x512xi32, #tpu.memory_space<vmem>>, vector<1x512xi32>,
    %slice3A_285 = vector.extract_strided_slice %convert_element_type3A_243 {offsets = [0, 2], sizes = [2048, 1], strides = [1, 1]} : vector<2048x128xi32> to vector<2048x1xi32>
    %eq3A_286 = vector.broadcast %slice3A_285 : vector<2048x1xi32> to vector<2048x512xi32>
    %eq3A_287 = arith.cmpi eq, %eq3A_286, %iota3A_247 : vector<2048x512xi32>
    %slice3A_288 = vector.extract_strided_slice %gt3A_246 {offsets = [0, 2], sizes = [2048, 1], strides = [1, 1]} : vector<2048x128xi1> to vector<2048x1xi1>
    %and3A_289 = vector.broadcast %slice3A_288 : vector<2048x1xi1> to vector<2048x512xi1>
    %and3A_290 = arith.andi %eq3A_287, %and3A_289 : vector<2048x512xi1>
    %jit3A_291 = arith.constant 0.000000e+00 : f32
    %broadcast_in_dim3A_292 = vector.shape_cast %convert_element_type3A_249 : vector<2048x1xf32> to vector<2048x1xf32>
    %broadcast_in_dim3A_293 = vector.broadcast %broadcast_in_dim3A_292 : vector<2048x1xf32> to vector<2048x512xf32>
    %broadcast_in_dim3A_294 = vector.broadcast %jit3A_291 : f32 to vector<2048x512xf32>
    %select_n3A_295 = arith.select %and3A_290, %broadcast_in_dim3A_293, %broadcast_in_dim3A_294 : vector<2048x512xi1>, vector<2048x512xf32>
    %reduce_sum3A_296 = arith.constant dense<0.000000e+00> : vector<512xf32>
    %reduce_sum3A_297 = vector.multi_reduction <add>, %select_n3A_295, %reduce_sum3A_296 [0] : vector<2048x512xf32> to vector<512xf32>
    %broadcast_in_dim3A_298 = vector.shape_cast %reduce_sum3A_297 : vector<512xf32> to vector<1x512xf32>
    %convert_element_type3A_299 = arith.fptosi %broadcast_in_dim3A_298 : vector<1x512xf32> to vector<1x512xi32>
    %swap3A_300 = arith.constant 2 : index
    %swap3A_301 = arith.constant 0 : index
    %swap3A_302 = vector.load %arg2[%swap3A_300, %swap3A_301] : memref<8x512xi32, #tpu.memory_space<vmem>>, vector<1x512xi32>
    tpu.vector_store %arg2[%swap3A_300, %swap3A_301], %convert_element_type3A_299 {strides = array<i32>} : memref<8x512xi32, #tpu.memory_space<vmem>>, vector<1x512xi32>,
    %slice3A_303 = vector.extract_strided_slice %convert_element_type3A_243 {offsets = [0, 3], sizes = [2048, 1], strides = [1, 1]} : vector<2048x128xi32> to vector<2048x1xi32>
    %eq3A_304 = vector.broadcast %slice3A_303 : vector<2048x1xi32> to vector<2048x512xi32>
    %eq3A_305 = arith.cmpi eq, %eq3A_304, %iota3A_247 : vector<2048x512xi32>
    %slice3A_306 = vector.extract_strided_slice %gt3A_246 {offsets = [0, 3], sizes = [2048, 1], strides = [1, 1]} : vector<2048x128xi1> to vector<2048x1xi1>
    %and3A_307 = vector.broadcast %slice3A_306 : vector<2048x1xi1> to vector<2048x512xi1>
    %and3A_308 = arith.andi %eq3A_305, %and3A_307 : vector<2048x512xi1>
    %jit3A_309 = arith.constant 0.000000e+00 : f32
    %broadcast_in_dim3A_310 = vector.shape_cast %convert_element_type3A_249 : vector<2048x1xf32> to vector<2048x1xf32>
    %broadcast_in_dim3A_311 = vector.broadcast %broadcast_in_dim3A_310 : vector<2048x1xf32> to vector<2048x512xf32>
    %broadcast_in_dim3A_312 = vector.broadcast %jit3A_309 : f32 to vector<2048x512xf32>
    %select_n3A_313 = arith.select %and3A_308, %broadcast_in_dim3A_311, %broadcast_in_dim3A_312 : vector<2048x512xi1>, vector<2048x512xf32>
    %reduce_sum3A_314 = arith.constant dense<0.000000e+00> : vector<512xf32>
    %reduce_sum3A_315 = vector.multi_reduction <add>, %select_n3A_313, %reduce_sum3A_314 [0] : vector<2048x512xf32> to vector<512xf32>
    %broadcast_in_dim3A_316 = vector.shape_cast %reduce_sum3A_315 : vector<512xf32> to vector<1x512xf32>
    %convert_element_type3A_317 = arith.fptosi %broadcast_in_dim3A_316 : vector<1x512xf32> to vector<1x512xi32>
    %swap3A_318 = arith.constant 3 : index
    %swap3A_319 = arith.constant 0 : index
    %swap3A_320 = vector.load %arg2[%swap3A_318, %swap3A_319] : memref<8x512xi32, #tpu.memory_space<vmem>>, vector<1x512xi32>
    tpu.vector_store %arg2[%swap3A_318, %swap3A_319], %convert_element_type3A_317 {strides = array<i32>} : memref<8x512xi32, #tpu.memory_space<vmem>>, vector<1x512xi32>,
    %slice3A_321 = vector.extract_strided_slice %convert_element_type3A_243 {offsets = [0, 4], sizes = [2048, 1], strides = [1, 1]} : vector<2048x128xi32> to vector<2048x1xi32>
    %eq3A_322 = vector.broadcast %slice3A_321 : vector<2048x1xi32> to vector<2048x512xi32>
    %eq3A_323 = arith.cmpi eq, %eq3A_322, %iota3A_247 : vector<2048x512xi32>
    %slice3A_324 = vector.extract_strided_slice %gt3A_246 {offsets = [0, 4], sizes = [2048, 1], strides = [1, 1]} : vector<2048x128xi1> to vector<2048x1xi1>
    %and3A_325 = vector.broadcast %slice3A_324 : vector<2048x1xi1> to vector<2048x512xi1>
    %and3A_326 = arith.andi %eq3A_323, %and3A_325 : vector<2048x512xi1>
    %jit3A_327 = arith.constant 0.000000e+00 : f32
    %broadcast_in_dim3A_328 = vector.shape_cast %convert_element_type3A_249 : vector<2048x1xf32> to vector<2048x1xf32>
    %broadcast_in_dim3A_329 = vector.broadcast %broadcast_in_dim3A_328 : vector<2048x1xf32> to vector<2048x512xf32>
    %broadcast_in_dim3A_330 = vector.broadcast %jit3A_327 : f32 to vector<2048x512xf32>
    %select_n3A_331 = arith.select %and3A_326, %broadcast_in_dim3A_329, %broadcast_in_dim3A_330 : vector<2048x512xi1>, vector<2048x512xf32>
    %reduce_sum3A_332 = arith.constant dense<0.000000e+00> : vector<512xf32>
    %reduce_sum3A_333 = vector.multi_reduction <add>, %select_n3A_331, %reduce_sum3A_332 [0] : vector<2048x512xf32> to vector<512xf32>
    %broadcast_in_dim3A_334 = vector.shape_cast %reduce_sum3A_333 : vector<512xf32> to vector<1x512xf32>
    %convert_element_type3A_335 = arith.fptosi %broadcast_in_dim3A_334 : vector<1x512xf32> to vector<1x512xi32>
    %swap3A_336 = arith.constant 4 : index
    %swap3A_337 = arith.constant 0 : index
    %swap3A_338 = vector.load %arg2[%swap3A_336, %swap3A_337] : memref<8x512xi32, #tpu.memory_space<vmem>>, vector<1x512xi32>
    tpu.vector_store %arg2[%swap3A_336, %swap3A_337], %convert_element_type3A_335 {strides = array<i32>} : memref<8x512xi32, #tpu.memory_space<vmem>>, vector<1x512xi32>,
    %slice3A_339 = vector.extract_strided_slice %convert_element_type3A_243 {offsets = [0, 5], sizes = [2048, 1], strides = [1, 1]} : vector<2048x128xi32> to vector<2048x1xi32>
    %eq3A_340 = vector.broadcast %slice3A_339 : vector<2048x1xi32> to vector<2048x512xi32>
    %eq3A_341 = arith.cmpi eq, %eq3A_340, %iota3A_247 : vector<2048x512xi32>
    %slice3A_342 = vector.extract_strided_slice %gt3A_246 {offsets = [0, 5], sizes = [2048, 1], strides = [1, 1]} : vector<2048x128xi1> to vector<2048x1xi1>
    %and3A_343 = vector.broadcast %slice3A_342 : vector<2048x1xi1> to vector<2048x512xi1>
    %and3A_344 = arith.andi %eq3A_341, %and3A_343 : vector<2048x512xi1>
    %jit3A_345 = arith.constant 0.000000e+00 : f32
    %broadcast_in_dim3A_346 = vector.shape_cast %convert_element_type3A_249 : vector<2048x1xf32> to vector<2048x1xf32>
    %broadcast_in_dim3A_347 = vector.broadcast %broadcast_in_dim3A_346 : vector<2048x1xf32> to vector<2048x512xf32>
    %broadcast_in_dim3A_348 = vector.broadcast %jit3A_345 : f32 to vector<2048x512xf32>
    %select_n3A_349 = arith.select %and3A_344, %broadcast_in_dim3A_347, %broadcast_in_dim3A_348 : vector<2048x512xi1>, vector<2048x512xf32>
    %reduce_sum3A_350 = arith.constant dense<0.000000e+00> : vector<512xf32>
    %reduce_sum3A_351 = vector.multi_reduction <add>, %select_n3A_349, %reduce_sum3A_350 [0] : vector<2048x512xf32> to vector<512xf32>
    %broadcast_in_dim3A_352 = vector.shape_cast %reduce_sum3A_351 : vector<512xf32> to vector<1x512xf32>
    %convert_element_type3A_353 = arith.fptosi %broadcast_in_dim3A_352 : vector<1x512xf32> to vector<1x512xi32>
    %swap3A_354 = arith.constant 5 : index
    %swap3A_355 = arith.constant 0 : index
    %swap3A_356 = vector.load %arg2[%swap3A_354, %swap3A_355] : memref<8x512xi32, #tpu.memory_space<vmem>>, vector<1x512xi32>
    tpu.vector_store %arg2[%swap3A_354, %swap3A_355], %convert_element_type3A_353 {strides = array<i32>} : memref<8x512xi32, #tpu.memory_space<vmem>>, vector<1x512xi32>,
    %slice3A_357 = vector.extract_strided_slice %convert_element_type3A_243 {offsets = [0, 6], sizes = [2048, 1], strides = [1, 1]} : vector<2048x128xi32> to vector<2048x1xi32>
    %eq3A_358 = vector.broadcast %slice3A_357 : vector<2048x1xi32> to vector<2048x512xi32>
    %eq3A_359 = arith.cmpi eq, %eq3A_358, %iota3A_247 : vector<2048x512xi32>
    %slice3A_360 = vector.extract_strided_slice %gt3A_246 {offsets = [0, 6], sizes = [2048, 1], strides = [1, 1]} : vector<2048x128xi1> to vector<2048x1xi1>
    %and3A_361 = vector.broadcast %slice3A_360 : vector<2048x1xi1> to vector<2048x512xi1>
    %and3A_362 = arith.andi %eq3A_359, %and3A_361 : vector<2048x512xi1>
    %jit3A_363 = arith.constant 0.000000e+00 : f32
    %broadcast_in_dim3A_364 = vector.shape_cast %convert_element_type3A_249 : vector<2048x1xf32> to vector<2048x1xf32>
    %broadcast_in_dim3A_365 = vector.broadcast %broadcast_in_dim3A_364 : vector<2048x1xf32> to vector<2048x512xf32>
    %broadcast_in_dim3A_366 = vector.broadcast %jit3A_363 : f32 to vector<2048x512xf32>
    %select_n3A_367 = arith.select %and3A_362, %broadcast_in_dim3A_365, %broadcast_in_dim3A_366 : vector<2048x512xi1>, vector<2048x512xf32>
    %reduce_sum3A_368 = arith.constant dense<0.000000e+00> : vector<512xf32>
    %reduce_sum3A_369 = vector.multi_reduction <add>, %select_n3A_367, %reduce_sum3A_368 [0] : vector<2048x512xf32> to vector<512xf32>
    %broadcast_in_dim3A_370 = vector.shape_cast %reduce_sum3A_369 : vector<512xf32> to vector<1x512xf32>
    %convert_element_type3A_371 = arith.fptosi %broadcast_in_dim3A_370 : vector<1x512xf32> to vector<1x512xi32>
    %swap3A_372 = arith.constant 6 : index
    %swap3A_373 = arith.constant 0 : index
    %swap3A_374 = vector.load %arg2[%swap3A_372, %swap3A_373] : memref<8x512xi32, #tpu.memory_space<vmem>>, vector<1x512xi32>
    tpu.vector_store %arg2[%swap3A_372, %swap3A_373], %convert_element_type3A_371 {strides = array<i32>} : memref<8x512xi32, #tpu.memory_space<vmem>>, vector<1x512xi32>,
    %slice3A_375 = vector.extract_strided_slice %convert_element_type3A_243 {offsets = [0, 7], sizes = [2048, 1], strides = [1, 1]} : vector<2048x128xi32> to vector<2048x1xi32>
    %eq3A_376 = vector.broadcast %slice3A_375 : vector<2048x1xi32> to vector<2048x512xi32>
    %eq3A_377 = arith.cmpi eq, %eq3A_376, %iota3A_247 : vector<2048x512xi32>
    %slice3A_378 = vector.extract_strided_slice %gt3A_246 {offsets = [0, 7], sizes = [2048, 1], strides = [1, 1]} : vector<2048x128xi1> to vector<2048x1xi1>
    %and3A_379 = vector.broadcast %slice3A_378 : vector<2048x1xi1> to vector<2048x512xi1>
    %and3A_380 = arith.andi %eq3A_377, %and3A_379 : vector<2048x512xi1>
    %jit3A_381 = arith.constant 0.000000e+00 : f32
    %broadcast_in_dim3A_382 = vector.shape_cast %convert_element_type3A_249 : vector<2048x1xf32> to vector<2048x1xf32>
    %broadcast_in_dim3A_383 = vector.broadcast %broadcast_in_dim3A_382 : vector<2048x1xf32> to vector<2048x512xf32>
    %broadcast_in_dim3A_384 = vector.broadcast %jit3A_381 : f32 to vector<2048x512xf32>
    %select_n3A_385 = arith.select %and3A_380, %broadcast_in_dim3A_383, %broadcast_in_dim3A_384 : vector<2048x512xi1>, vector<2048x512xf32>
    %reduce_sum3A_386 = arith.constant dense<0.000000e+00> : vector<512xf32>
    %reduce_sum3A_387 = vector.multi_reduction <add>, %select_n3A_385, %reduce_sum3A_386 [0] : vector<2048x512xf32> to vector<512xf32>
    %broadcast_in_dim3A_388 = vector.shape_cast %reduce_sum3A_387 : vector<512xf32> to vector<1x512xf32>
    %convert_element_type3A_389 = arith.fptosi %broadcast_in_dim3A_388 : vector<1x512xf32> to vector<1x512xi32>
    %swap3A_390 = arith.constant 7 : index
    %swap3A_391 = arith.constant 0 : index
    %swap3A_392 = vector.load %arg2[%swap3A_390, %swap3A_391] : memref<8x512xi32, #tpu.memory_space<vmem>>, vector<1x512xi32>
    tpu.vector_store %arg2[%swap3A_390, %swap3A_391], %convert_element_type3A_389 {strides = array<i32>} : memref<8x512xi32, #tpu.memory_space<vmem>>, vector<1x512xi32>,
    %eq3A_393 = vector.broadcast %broadcast_in_dim3A_19 : vector<2048x1xi32> to vector<2048x128xi32>
    %eq3A_394 = arith.cmpi eq, %iota3A, %eq3A_393 : vector<2048x128xi32>
    %jit3A_395 = arith.constant 0.000000e+00 : f32
    %broadcast_in_dim3A_396 = vector.broadcast %jit3A_395 : f32 to vector<2048x128xf32>
    %select_n3A_397 = arith.select %eq3A_394, %mul3A_163, %broadcast_in_dim3A_396 : vector<2048x128xi1>, vector<2048x128xf32>
    %reduce_sum3A_398 = arith.constant dense<0.000000e+00> : vector<2048xf32>
    %reduce_sum3A_399 = vector.multi_reduction <add>, %select_n3A_397, %reduce_sum3A_398 [1] : vector<2048x128xf32> to vector<2048xf32>
    %broadcast_in_dim3A_400 = vector.shape_cast %reduce_sum3A_399 : vector<2048xf32> to vector<2048x1xf32>
    %gt3A_401 = arith.constant 0.000000e+00 : f32
    %gt3A_402 = vector.broadcast %gt3A_401 : f32 to vector<2048x1xf32>
    %gt3A_403 = arith.cmpf ogt, %broadcast_in_dim3A_400, %gt3A_402 : vector<2048x1xf32>
    %eq3A_404 = vector.broadcast %broadcast_in_dim3A_34 : vector<2048x1xi32> to vector<2048x128xi32>
    %eq3A_405 = arith.cmpi eq, %iota3A, %eq3A_404 : vector<2048x128xi32>
    %jit3A_406 = arith.constant 0.000000e+00 : f32
    %broadcast_in_dim3A_407 = vector.broadcast %jit3A_406 : f32 to vector<2048x128xf32>
    %select_n3A_408 = arith.select %eq3A_405, %mul3A_163, %broadcast_in_dim3A_407 : vector<2048x128xi1>, vector<2048x128xf32>
    %reduce_sum3A_409 = arith.constant dense<0.000000e+00> : vector<2048xf32>
    %reduce_sum3A_410 = vector.multi_reduction <add>, %select_n3A_408, %reduce_sum3A_409 [1] : vector<2048x128xf32> to vector<2048xf32>
    %broadcast_in_dim3A_411 = vector.shape_cast %reduce_sum3A_410 : vector<2048xf32> to vector<2048x1xf32>
    %gt3A_412 = arith.constant 0.000000e+00 : f32
    %gt3A_413 = vector.broadcast %gt3A_412 : f32 to vector<2048x1xf32>
    %gt3A_414 = arith.cmpf ogt, %broadcast_in_dim3A_411, %gt3A_413 : vector<2048x1xf32>
    %eq3A_415 = vector.broadcast %broadcast_in_dim3A_19 : vector<2048x1xi32> to vector<2048x128xi32>
    %eq3A_416 = arith.cmpi eq, %iota3A, %eq3A_415 : vector<2048x128xi32>
    %jit3A_417 = arith.constant 0.000000e+00 : f32
    %broadcast_in_dim3A_418 = vector.broadcast %jit3A_417 : f32 to vector<2048x128xf32>
    %select_n3A_419 = arith.select %eq3A_416, %concatenate3A_242, %broadcast_in_dim3A_418 : vector<2048x128xi1>, vector<2048x128xf32>
    %reduce_sum3A_420 = arith.constant dense<0.000000e+00> : vector<2048xf32>
    %reduce_sum3A_421 = vector.multi_reduction <add>, %select_n3A_419, %reduce_sum3A_420 [1] : vector<2048x128xf32> to vector<2048xf32>
    %broadcast_in_dim3A_422 = vector.shape_cast %reduce_sum3A_421 : vector<2048xf32> to vector<2048x1xf32>
    %convert_element_type3A_423 = arith.fptosi %broadcast_in_dim3A_422 : vector<2048x1xf32> to vector<2048x1xi32>
    %eq3A_424 = vector.broadcast %broadcast_in_dim3A_34 : vector<2048x1xi32> to vector<2048x128xi32>
    %eq3A_425 = arith.cmpi eq, %iota3A, %eq3A_424 : vector<2048x128xi32>
    %jit3A_426 = arith.constant 0.000000e+00 : f32
    %broadcast_in_dim3A_427 = vector.broadcast %jit3A_426 : f32 to vector<2048x128xf32>
    %select_n3A_428 = arith.select %eq3A_425, %concatenate3A_242, %broadcast_in_dim3A_427 : vector<2048x128xi1>, vector<2048x128xf32>
    %reduce_sum3A_429 = arith.constant dense<0.000000e+00> : vector<2048xf32>
    %reduce_sum3A_430 = vector.multi_reduction <add>, %select_n3A_428, %reduce_sum3A_429 [1] : vector<2048x128xf32> to vector<2048xf32>
    %broadcast_in_dim3A_431 = vector.shape_cast %reduce_sum3A_430 : vector<2048xf32> to vector<2048x1xf32>
    %convert_element_type3A_432 = arith.fptosi %broadcast_in_dim3A_431 : vector<2048x1xf32> to vector<2048x1xi32>
    %eq3A_433 = vector.broadcast %broadcast_in_dim3A_19 : vector<2048x1xi32> to vector<2048x128xi32>
    %eq3A_434 = arith.cmpi eq, %iota3A, %eq3A_433 : vector<2048x128xi32>
    %jit3A_435 = arith.constant 0.000000e+00 : f32
    %broadcast_in_dim3A_436 = vector.broadcast %jit3A_435 : f32 to vector<2048x128xf32>
    %select_n3A_437 = arith.select %eq3A_434, %div3A_13, %broadcast_in_dim3A_436 : vector<2048x128xi1>, vector<2048x128xf32>
    %reduce_sum3A_438 = arith.constant dense<0.000000e+00> : vector<2048xf32>
    %reduce_sum3A_439 = vector.multi_reduction <add>, %select_n3A_437, %reduce_sum3A_438 [1] : vector<2048x128xf32> to vector<2048xf32>
    %broadcast_in_dim3A_440 = vector.shape_cast %reduce_sum3A_439 : vector<2048xf32> to vector<2048x1xf32>
    %jit3A_441 = arith.constant 0.000000e+00 : f32
    %broadcast_in_dim3A_442 = vector.broadcast %jit3A_441 : f32 to vector<2048x1xf32>
    %select_n3A_443 = arith.select %gt3A_403, %broadcast_in_dim3A_440, %broadcast_in_dim3A_442 : vector<2048x1xi1>, vector<2048x1xf32>
    %eq3A_444 = vector.broadcast %broadcast_in_dim3A_34 : vector<2048x1xi32> to vector<2048x128xi32>
    %eq3A_445 = arith.cmpi eq, %iota3A, %eq3A_444 : vector<2048x128xi32>
    %jit3A_446 = arith.constant 0.000000e+00 : f32
    %broadcast_in_dim3A_447 = vector.broadcast %jit3A_446 : f32 to vector<2048x128xf32>
    %select_n3A_448 = arith.select %eq3A_445, %div3A_13, %broadcast_in_dim3A_447 : vector<2048x128xi1>, vector<2048x128xf32>
    %reduce_sum3A_449 = arith.constant dense<0.000000e+00> : vector<2048xf32>
    %reduce_sum3A_450 = vector.multi_reduction <add>, %select_n3A_448, %reduce_sum3A_449 [1] : vector<2048x128xf32> to vector<2048xf32>
    %broadcast_in_dim3A_451 = vector.shape_cast %reduce_sum3A_450 : vector<2048xf32> to vector<2048x1xf32>
    %jit3A_452 = arith.constant 0.000000e+00 : f32
    %broadcast_in_dim3A_453 = vector.broadcast %jit3A_452 : f32 to vector<2048x1xf32>
    %select_n3A_454 = arith.select %gt3A_414, %broadcast_in_dim3A_451, %broadcast_in_dim3A_453 : vector<2048x1xi1>, vector<2048x1xf32>
    %mul3A_455 = arith.constant 512 : i32
    %mul3A_456 = vector.broadcast %mul3A_455 : i32 to vector<2048x1xi32>
    %mul3A_457 = arith.muli %broadcast_in_dim3A_19, %mul3A_456 : vector<2048x1xi32>
    %add3A_458 = arith.addi %mul3A_457, %convert_element_type3A_423 : vector<2048x1xi32>
    %jit3A_459 = arith.constant 0 : i32
    %broadcast_in_dim3A_460 = vector.broadcast %jit3A_459 : i32 to vector<2048x1xi32>
    %select_n3A_461 = arith.select %gt3A_403, %add3A_458, %broadcast_in_dim3A_460 : vector<2048x1xi1>, vector<2048x1xi32>
    %swap3A_462 = arith.constant 0 : index
    %swap3A_463 = arith.constant 0 : index
    %swap3A_464 = vector.load %arg3[%swap3A_462, %swap3A_463] : memref<2048x2xi32, #tpu.memory_space<vmem>>, vector<2048x1xi32>
    tpu.vector_store %arg3[%swap3A_462, %swap3A_463], %select_n3A_461 {strides = array<i32>} : memref<2048x2xi32, #tpu.memory_space<vmem>>, vector<2048x1xi32>,
    %mul3A_465 = arith.constant 512 : i32
    %mul3A_466 = vector.broadcast %mul3A_465 : i32 to vector<2048x1xi32>
    %mul3A_467 = arith.muli %broadcast_in_dim3A_34, %mul3A_466 : vector<2048x1xi32>
    %add3A_468 = arith.addi %mul3A_467, %convert_element_type3A_432 : vector<2048x1xi32>
    %jit3A_469 = arith.constant 0 : i32
    %broadcast_in_dim3A_470 = vector.broadcast %jit3A_469 : i32 to vector<2048x1xi32>
    %select_n3A_471 = arith.select %gt3A_414, %add3A_468, %broadcast_in_dim3A_470 : vector<2048x1xi1>, vector<2048x1xi32>
    %swap3A_472 = arith.constant 0 : index
    %swap3A_473 = arith.constant 1 : index
    %swap3A_474 = vector.load %arg3[%swap3A_472, %swap3A_473] : memref<2048x2xi32, #tpu.memory_space<vmem>>, vector<2048x1xi32>
    tpu.vector_store %arg3[%swap3A_472, %swap3A_473], %select_n3A_471 {strides = array<i32>} : memref<2048x2xi32, #tpu.memory_space<vmem>>, vector<2048x1xi32>,
    %swap3A_475 = arith.constant 0 : index
    %swap3A_476 = arith.constant 0 : index
    %swap3A_477 = vector.load %arg4[%swap3A_475, %swap3A_476] : memref<2048x2xf32, #tpu.memory_space<vmem>>, vector<2048x1xf32>
    tpu.vector_store %arg4[%swap3A_475, %swap3A_476], %select_n3A_443 {strides = array<i32>} : memref<2048x2xf32, #tpu.memory_space<vmem>>, vector<2048x1xf32>,
    %swap3A_478 = arith.constant 0 : index
    %swap3A_479 = arith.constant 1 : index
    %swap3A_480 = vector.load %arg4[%swap3A_478, %swap3A_479] : memref<2048x2xf32, #tpu.memory_space<vmem>>, vector<2048x1xf32>
    tpu.vector_store %arg4[%swap3A_478, %swap3A_479], %select_n3A_454 {strides = array<i32>} : memref<2048x2xf32, #tpu.memory_space<vmem>>, vector<2048x1xf32>,
    %sub3A_481 = arith.constant 1.000000e+00 : f32
    %sub3A_482 = vector.broadcast %sub3A_481 : f32 to vector<2048x1xf32>
    %sub3A_483 = arith.subf %sub3A_482, %select_n3A_443 : vector<2048x1xf32>
    %sub3A_484 = arith.subf %sub3A_483, %select_n3A_454 : vector<2048x1xf32>
    %swap3A_485 = arith.constant 0 : index
    %swap3A_486 = arith.constant 0 : index
    %swap3A_487 = vector.load %arg5[%swap3A_485, %swap3A_486] : memref<2048x1xf32, #tpu.memory_space<vmem>>, vector<2048x1xf32>
    tpu.vector_store %arg5[%swap3A_485, %swap3A_486], %sub3A_484 {strides = array<i32>} : memref<2048x1xf32, #tpu.memory_space<vmem>>, vector<2048x1xf32>,
    return
  }
}

module attributes {stable_mosaic.version = 14 : i64} {
  func.func @_ffn_kernel(%arg0: i32, %arg1: i32, %arg2: memref<1x512x1024xf32, #tpu.memory_space<vmem>>, %arg3: memref<1x1024x1024xf32, #tpu.memory_space<vmem>>, %arg4: memref<1x1024x1024xf32, #tpu.memory_space<vmem>>, %arg5: memref<1x1024x1024xf32, #tpu.memory_space<vmem>>, %arg6: memref<1x512x1024xbf16, #tpu.memory_space<vmem>>) attributes {dimension_semantics = [#tpu.dimension_semantics<arbitrary>, #tpu.dimension_semantics<arbitrary>], iteration_bounds = array<i64: 8, 2>, scalar_prefetch = 0 : i64, scratch_operands = 0 : i64, tpu.core_type = #tpu.core_type<tc>, window_params = [{transform_indices = @transform_0, window_bounds = array<i64: 1, 512, 1024>}, {transform_indices = @transform_1, window_bounds = array<i64: 1, 1024, 1024>}, {transform_indices = @transform_2, window_bounds = array<i64: 1, 1024, 1024>}, {transform_indices = @transform_3, window_bounds = array<i64: 1, 1024, 1024>}, {transform_indices = @transform_4, window_bounds = array<i64: 1, 512, 1024>}]} {
    %get3A = arith.constant 0 : index
    %get3A_0 = arith.constant 0 : index
    %get3A_1 = arith.constant 0 : index
    %get3A_2 = vector.load %arg2[%get3A, %get3A_0, %get3A_1] : memref<1x512x1024xf32, #tpu.memory_space<vmem>>, vector<1x512x1024xf32>
    %get3A_3 = vector.shape_cast %get3A_2 : vector<1x512x1024xf32> to vector<512x1024xf32>
    %convert_element_type3A = arith.truncf %get3A_3 : vector<512x1024xf32> to vector<512x1024xbf16>
    %get3A_4 = arith.constant 0 : index
    %get3A_5 = arith.constant 0 : index
    %get3A_6 = arith.constant 0 : index
    %get3A_7 = vector.load %arg3[%get3A_4, %get3A_5, %get3A_6] : memref<1x1024x1024xf32, #tpu.memory_space<vmem>>, vector<1x1024x1024xf32>
    %get3A_8 = vector.shape_cast %get3A_7 : vector<1x1024x1024xf32> to vector<1024x1024xf32>
    %convert_element_type3A_9 = arith.truncf %get3A_8 : vector<1024x1024xf32> to vector<1024x1024xbf16>
    %dot_general3A = arith.constant dense<0.000000e+00> : vector<512x1024xf32>
    %dot_general3A_10 = tpu.matmul %convert_element_type3A, %convert_element_type3A_9, %dot_general3A {dimension_numbers = #tpu.dot_dimension_numbers<[1], [0], [0], [1], [0, 0, 1, 1], [], []>, transpose_lhs_hint = false} : vector<512x1024xbf16>, vector<1024x1024xbf16>, vector<512x1024xf32> -> vector<512x1024xf32>
    %get3A_11 = arith.constant 0 : index
    %get3A_12 = arith.constant 0 : index
    %get3A_13 = arith.constant 0 : index
    %get3A_14 = vector.load %arg4[%get3A_11, %get3A_12, %get3A_13] : memref<1x1024x1024xf32, #tpu.memory_space<vmem>>, vector<1x1024x1024xf32>
    %get3A_15 = vector.shape_cast %get3A_14 : vector<1x1024x1024xf32> to vector<1024x1024xf32>
    %convert_element_type3A_16 = arith.truncf %get3A_15 : vector<1024x1024xf32> to vector<1024x1024xbf16>
    %dot_general3A_17 = arith.constant dense<0.000000e+00> : vector<512x1024xf32>
    %dot_general3A_18 = tpu.matmul %convert_element_type3A, %convert_element_type3A_16, %dot_general3A_17 {dimension_numbers = #tpu.dot_dimension_numbers<[1], [0], [0], [1], [0, 0, 1, 1], [], []>, transpose_lhs_hint = false} : vector<512x1024xbf16>, vector<1024x1024xbf16>, vector<512x1024xf32> -> vector<512x1024xf32>
    %logistic3A = arith.negf %dot_general3A_10 : vector<512x1024xf32>
    %logistic3A_19 = math.exp %logistic3A : vector<512x1024xf32>
    %logistic3A_20 = arith.constant 1.000000e+00 : f32
    %logistic3A_21 = vector.broadcast %logistic3A_20 : f32 to vector<512x1024xf32>
    %logistic3A_22 = arith.addf %logistic3A_21, %logistic3A_19 : vector<512x1024xf32>
    %logistic3A_23 = arith.divf %logistic3A_21, %logistic3A_22 : vector<512x1024xf32>
    %mul3A = arith.mulf %dot_general3A_10, %logistic3A_23 : vector<512x1024xf32>
    %mul3A_24 = arith.mulf %mul3A, %dot_general3A_18 : vector<512x1024xf32>
    %convert_element_type3A_25 = arith.truncf %mul3A_24 : vector<512x1024xf32> to vector<512x1024xbf16>
    %get3A_26 = arith.constant 0 : index
    %get3A_27 = arith.constant 0 : index
    %get3A_28 = arith.constant 0 : index
    %get3A_29 = vector.load %arg5[%get3A_26, %get3A_27, %get3A_28] : memref<1x1024x1024xf32, #tpu.memory_space<vmem>>, vector<1x1024x1024xf32>
    %get3A_30 = vector.shape_cast %get3A_29 : vector<1x1024x1024xf32> to vector<1024x1024xf32>
    %convert_element_type3A_31 = arith.truncf %get3A_30 : vector<1024x1024xf32> to vector<1024x1024xbf16>
    %dot_general3A_32 = arith.constant dense<0.000000e+00> : vector<512x1024xf32>
    %dot_general3A_33 = tpu.matmul %convert_element_type3A_25, %convert_element_type3A_31, %dot_general3A_32 {dimension_numbers = #tpu.dot_dimension_numbers<[1], [0], [0], [1], [0, 0, 1, 1], [], []>, transpose_lhs_hint = false} : vector<512x1024xbf16>, vector<1024x1024xbf16>, vector<512x1024xf32> -> vector<512x1024xf32>
    %eq3A = arith.constant 0 : i32
    %eq3A_34 = arith.cmpi eq, %arg1, %eq3A : i32
    %convert_element_type3A_35 = arith.extui %eq3A_34 : i1 to i32
    %cond3A = arith.constant 0 : i32
    %cond3A_36 = arith.cmpi ne, %convert_element_type3A_35, %cond3A : i32
    scf.if %cond3A_36 {
      %convert_element_type3A_41 = arith.truncf %dot_general3A_33 : vector<512x1024xf32> to vector<512x1024xbf16>
      %swap3A = arith.constant 0 : index
      %swap3A_42 = arith.constant 0 : index
      %swap3A_43 = arith.constant 0 : index
      %swap3A_44 = vector.load %arg6[%swap3A, %swap3A_42, %swap3A_43] : memref<1x512x1024xbf16, #tpu.memory_space<vmem>>, vector<1x512x1024xbf16>
      %swap3A_45 = vector.shape_cast %swap3A_44 : vector<1x512x1024xbf16> to vector<512x1024xbf16>
      %swap3A_46 = vector.shape_cast %convert_element_type3A_41 : vector<512x1024xbf16> to vector<1x512x1024xbf16>
      tpu.vector_store %arg6[%swap3A, %swap3A_42, %swap3A_43], %swap3A_46 {strides = array<i32>} : memref<1x512x1024xbf16, #tpu.memory_space<vmem>>, vector<1x512x1024xbf16>,
    } else {
    }
    %gt3A = arith.constant 0 : i32
    %gt3A_37 = arith.cmpi sgt, %arg1, %gt3A : i32
    %convert_element_type3A_38 = arith.extui %gt3A_37 : i1 to i32
    %cond3A_39 = arith.constant 0 : i32
    %cond3A_40 = arith.cmpi ne, %convert_element_type3A_38, %cond3A_39 : i32
    scf.if %cond3A_40 {
      %get3A_41 = arith.constant 0 : index
      %get3A_42 = arith.constant 0 : index
      %get3A_43 = arith.constant 0 : index
      %get3A_44 = vector.load %arg6[%get3A_41, %get3A_42, %get3A_43] : memref<1x512x1024xbf16, #tpu.memory_space<vmem>>, vector<1x512x1024xbf16>
      %get3A_45 = vector.shape_cast %get3A_44 : vector<1x512x1024xbf16> to vector<512x1024xbf16>
      %convert_element_type3A_46 = arith.extf %get3A_45 : vector<512x1024xbf16> to vector<512x1024xf32>
      %add3A = arith.addf %convert_element_type3A_46, %dot_general3A_33 : vector<512x1024xf32>
      %convert_element_type3A_47 = arith.truncf %add3A : vector<512x1024xf32> to vector<512x1024xbf16>
      %swap3A = arith.constant 0 : index
      %swap3A_48 = arith.constant 0 : index
      %swap3A_49 = arith.constant 0 : index
      %swap3A_50 = vector.load %arg6[%swap3A, %swap3A_48, %swap3A_49] : memref<1x512x1024xbf16, #tpu.memory_space<vmem>>, vector<1x512x1024xbf16>
      %swap3A_51 = vector.shape_cast %swap3A_50 : vector<1x512x1024xbf16> to vector<512x1024xbf16>
      %swap3A_52 = vector.shape_cast %convert_element_type3A_47 : vector<512x1024xbf16> to vector<1x512x1024xbf16>
      tpu.vector_store %arg6[%swap3A, %swap3A_48, %swap3A_49], %swap3A_52 {strides = array<i32>} : memref<1x512x1024xbf16, #tpu.memory_space<vmem>>, vector<1x512x1024xbf16>,
    } else {
    }
    return
  }
  func.func @transform_0(%arg0: i32, %arg1: i32) -> (i32, i32, i32) {
    %c0_i32 = arith.constant 0 : i32
    %c0_i32_0 = arith.constant 0 : i32
    %c0_i32_1 = arith.constant 0 : i32
    return %arg0, %c0_i32, %c0_i32_0 : i32, i32, i32
  }
  func.func @transform_1(%arg0: i32, %arg1: i32) -> (i32, i32, i32) {
    %c0_i32 = arith.constant 0 : i32
    %c0_i32_0 = arith.constant 0 : i32
    return %arg0, %c0_i32, %arg1 : i32, i32, i32
  }
  func.func @transform_2(%arg0: i32, %arg1: i32) -> (i32, i32, i32) {
    %c0_i32 = arith.constant 0 : i32
    %c0_i32_0 = arith.constant 0 : i32
    return %arg0, %c0_i32, %arg1 : i32, i32, i32
  }
  func.func @transform_3(%arg0: i32, %arg1: i32) -> (i32, i32, i32) {
    %c0_i32 = arith.constant 0 : i32
    %c0_i32_0 = arith.constant 0 : i32
    return %arg0, %arg1, %c0_i32 : i32, i32, i32
  }
  func.func @transform_4(%arg0: i32, %arg1: i32) -> (i32, i32, i32) {
    %c0_i32 = arith.constant 0 : i32
    %c0_i32_0 = arith.constant 0 : i32
    %c0_i32_1 = arith.constant 0 : i32
    return %arg0, %c0_i32, %c0_i32_0 : i32, i32, i32
  }
}

module attributes {stable_mosaic.version = 14 : i64} {
  func.func @_logits_kernel(%arg0: i32, %arg1: memref<2048x1024xf32, #tpu.memory_space<vmem>>, %arg2: memref<2048x2048xbf16, #tpu.memory_space<vmem>>, %arg3: memref<2048x2xf32, #tpu.memory_space<vmem>>, %arg4: memref<2048x1xf32, #tpu.memory_space<vmem>>, %arg5: memref<1x1024xf32, #tpu.memory_space<vmem>>, %arg6: memref<640x1024xf32, #tpu.memory_space<vmem>>, %arg7: memref<2048x640xf32, #tpu.memory_space<vmem>>, %arg8: memref<2048x1024xbf16, #tpu.memory_space<vmem>>) attributes {dimension_semantics = [#tpu.dimension_semantics<arbitrary>], iteration_bounds = array<i64: 50>, scalar_prefetch = 0 : i64, scratch_operands = 1 : i64, tpu.core_type = #tpu.core_type<tc>, window_params = [{pipeline_mode = #tpu.pipeline_mode<synchronous>, transform_indices = @transform_0, window_bounds = array<i64: 2048, 1024>}, {pipeline_mode = #tpu.pipeline_mode<synchronous>, transform_indices = @transform_1, window_bounds = array<i64: 2048, 2048>}, {pipeline_mode = #tpu.pipeline_mode<synchronous>, transform_indices = @transform_2, window_bounds = array<i64: 2048, 2>}, {pipeline_mode = #tpu.pipeline_mode<synchronous>, transform_indices = @transform_3, window_bounds = array<i64: 2048, 1>}, {pipeline_mode = #tpu.pipeline_mode<synchronous>, transform_indices = @transform_4, window_bounds = array<i64: 1, 1024>}, {transform_indices = @transform_5, window_bounds = array<i64: 640, 1024>}, {transform_indices = @transform_6, window_bounds = array<i64: 2048, 640>}]} {
    %eq3A = arith.constant 0 : i32
    %eq3A_0 = arith.cmpi eq, %arg0, %eq3A : i32
    %convert_element_type3A = arith.extui %eq3A_0 : i1 to i32
    %cond3A = arith.constant 0 : i32
    %cond3A_1 = arith.cmpi ne, %convert_element_type3A, %cond3A : i32
    scf.if %cond3A_1 {
      %get3A_11 = arith.constant 0 : index
      %get3A_12 = arith.constant 0 : index
      %get3A_13 = vector.load %arg1[%get3A_11, %get3A_12] : memref<2048x1024xf32, #tpu.memory_space<vmem>>, vector<2048x1024xf32>
      %get3A_14 = arith.constant 0 : index
      %get3A_15 = arith.constant 0 : index
      %get3A_16 = vector.load %arg2[%get3A_14, %get3A_15] : memref<2048x2048xbf16, #tpu.memory_space<vmem>>, vector<2048x1024xbf16>
      %convert_element_type3A_17 = arith.extf %get3A_16 : vector<2048x1024xbf16> to vector<2048x1024xf32>
      %get3A_18 = arith.constant 0 : index
      %get3A_19 = arith.constant 1024 : index
      %get3A_20 = vector.load %arg2[%get3A_18, %get3A_19] : memref<2048x2048xbf16, #tpu.memory_space<vmem>>, vector<2048x1024xbf16>
      %convert_element_type3A_21 = arith.extf %get3A_20 : vector<2048x1024xbf16> to vector<2048x1024xf32>
      %get3A_22 = arith.constant 0 : index
      %get3A_23 = arith.constant 0 : index
      %get3A_24 = vector.load %arg4[%get3A_22, %get3A_23] : memref<2048x1xf32, #tpu.memory_space<vmem>>, vector<2048x1xf32>
      %mul3A = vector.broadcast %get3A_24 : vector<2048x1xf32> to vector<2048x1024xf32>
      %mul3A_25 = arith.mulf %get3A_13, %mul3A : vector<2048x1024xf32>
      %get3A_26 = arith.constant 0 : index
      %get3A_27 = arith.constant 0 : index
      %get3A_28 = vector.load %arg3[%get3A_26, %get3A_27] : memref<2048x2xf32, #tpu.memory_space<vmem>>, vector<2048x1xf32>
      %mul3A_29 = vector.broadcast %get3A_28 : vector<2048x1xf32> to vector<2048x1024xf32>
      %mul3A_30 = arith.mulf %convert_element_type3A_17, %mul3A_29 : vector<2048x1024xf32>
      %add3A = arith.addf %mul3A_25, %mul3A_30 : vector<2048x1024xf32>
      %get3A_31 = arith.constant 0 : index
      %get3A_32 = arith.constant 1 : index
      %get3A_33 = vector.load %arg3[%get3A_31, %get3A_32] : memref<2048x2xf32, #tpu.memory_space<vmem>>, vector<2048x1xf32>
      %mul3A_34 = vector.broadcast %get3A_33 : vector<2048x1xf32> to vector<2048x1024xf32>
      %mul3A_35 = arith.mulf %convert_element_type3A_21, %mul3A_34 : vector<2048x1024xf32>
      %add3A_36 = arith.addf %add3A, %mul3A_35 : vector<2048x1024xf32>
      %mul3A_37 = arith.mulf %add3A_36, %add3A_36 : vector<2048x1024xf32>
      %reduce_sum3A = arith.constant dense<0.000000e+00> : vector<2048xf32>
      %reduce_sum3A_38 = vector.multi_reduction <add>, %mul3A_37, %reduce_sum3A [1] : vector<2048x1024xf32> to vector<2048xf32>
      %broadcast_in_dim3A = vector.shape_cast %reduce_sum3A_38 : vector<2048xf32> to vector<2048x1xf32>
      %div3A = arith.constant 1.024000e+03 : f32
      %div3A_39 = vector.broadcast %div3A : f32 to vector<2048x1xf32>
      %div3A_40 = arith.divf %broadcast_in_dim3A, %div3A_39 : vector<2048x1xf32>
      %add3A_41 = arith.constant 9.99999997E-7 : f32
      %add3A_42 = vector.broadcast %add3A_41 : f32 to vector<2048x1xf32>
      %add3A_43 = arith.addf %div3A_40, %add3A_42 : vector<2048x1xf32>
      %rsqrt3A = math.rsqrt %add3A_43 : vector<2048x1xf32>
      %mul3A_44 = vector.broadcast %rsqrt3A : vector<2048x1xf32> to vector<2048x1024xf32>
      %mul3A_45 = arith.mulf %add3A_36, %mul3A_44 : vector<2048x1024xf32>
      %get3A_46 = arith.constant 0 : index
      %get3A_47 = arith.constant 0 : index
      %get3A_48 = vector.load %arg5[%get3A_46, %get3A_47] : memref<1x1024xf32, #tpu.memory_space<vmem>>, vector<1x1024xf32>
      %mul3A_49 = vector.broadcast %get3A_48 : vector<1x1024xf32> to vector<2048x1024xf32>
      %mul3A_50 = arith.mulf %mul3A_45, %mul3A_49 : vector<2048x1024xf32>
      %convert_element_type3A_51 = arith.truncf %mul3A_50 : vector<2048x1024xf32> to vector<2048x1024xbf16>
      %swap3A_52 = arith.constant 0 : index
      %swap3A_53 = arith.constant 0 : index
      %swap3A_54 = vector.load %arg8[%swap3A_52, %swap3A_53] : memref<2048x1024xbf16, #tpu.memory_space<vmem>>, vector<2048x1024xbf16>
      tpu.vector_store %arg8[%swap3A_52, %swap3A_53], %convert_element_type3A_51 {strides = array<i32>} : memref<2048x1024xbf16, #tpu.memory_space<vmem>>, vector<2048x1024xbf16>,
    } else {
    }
    %get3A = arith.constant 0 : index
    %get3A_2 = arith.constant 0 : index
    %get3A_3 = vector.load %arg8[%get3A, %get3A_2] : memref<2048x1024xbf16, #tpu.memory_space<vmem>>, vector<2048x1024xbf16>
    %get3A_4 = arith.constant 0 : index
    %get3A_5 = arith.constant 0 : index
    %get3A_6 = vector.load %arg6[%get3A_4, %get3A_5] : memref<640x1024xf32, #tpu.memory_space<vmem>>, vector<640x1024xf32>
    %convert_element_type3A_7 = arith.truncf %get3A_6 : vector<640x1024xf32> to vector<640x1024xbf16>
    %dot_general3A = arith.constant dense<0.000000e+00> : vector<2048x640xf32>
    %dot_general3A_8 = tpu.matmul %get3A_3, %convert_element_type3A_7, %dot_general3A {dimension_numbers = #tpu.dot_dimension_numbers<[1], [1], [0], [0], [0, 0, 1, 0], [], []>, transpose_lhs_hint = false} : vector<2048x1024xbf16>, vector<640x1024xbf16>, vector<2048x640xf32> -> vector<2048x640xf32>
    %swap3A = arith.constant 0 : index
    %swap3A_9 = arith.constant 0 : index
    %swap3A_10 = vector.load %arg7[%swap3A, %swap3A_9] : memref<2048x640xf32, #tpu.memory_space<vmem>>, vector<2048x640xf32>
    tpu.vector_store %arg7[%swap3A, %swap3A_9], %dot_general3A_8 {strides = array<i32>} : memref<2048x640xf32, #tpu.memory_space<vmem>>, vector<2048x640xf32>,
    return
  }
  func.func @transform_0(%arg0: i32) -> (i32, i32) {
    %c0_i32 = arith.constant 0 : i32
    %c0_i32_0 = arith.constant 0 : i32
    %c0_i32_1 = arith.constant 0 : i32
    return %c0_i32, %c0_i32_0 : i32, i32
  }
  func.func @transform_1(%arg0: i32) -> (i32, i32) {
    %c0_i32 = arith.constant 0 : i32
    %c0_i32_0 = arith.constant 0 : i32
    %c0_i32_1 = arith.constant 0 : i32
    return %c0_i32, %c0_i32_0 : i32, i32
  }
  func.func @transform_2(%arg0: i32) -> (i32, i32) {
    %c0_i32 = arith.constant 0 : i32
    %c0_i32_0 = arith.constant 0 : i32
    %c0_i32_1 = arith.constant 0 : i32
    return %c0_i32, %c0_i32_0 : i32, i32
  }
  func.func @transform_3(%arg0: i32) -> (i32, i32) {
    %c0_i32 = arith.constant 0 : i32
    %c0_i32_0 = arith.constant 0 : i32
    %c0_i32_1 = arith.constant 0 : i32
    return %c0_i32, %c0_i32_0 : i32, i32
  }
  func.func @transform_4(%arg0: i32) -> (i32, i32) {
    %c0_i32 = arith.constant 0 : i32
    %c0_i32_0 = arith.constant 0 : i32
    %c0_i32_1 = arith.constant 0 : i32
    return %c0_i32, %c0_i32_0 : i32, i32
  }
  func.func @transform_5(%arg0: i32) -> (i32, i32) {
    %c0_i32 = arith.constant 0 : i32
    %c0_i32_0 = arith.constant 0 : i32
    return %arg0, %c0_i32 : i32, i32
  }
  func.func @transform_6(%arg0: i32) -> (i32, i32) {
    %c0_i32 = arith.constant 0 : i32
    %c0_i32_0 = arith.constant 0 : i32
    return %c0_i32, %arg0 : i32, i32
  }
}

</mosaic_0001>

<sc_bundles>
// kernel: kernel.11.cloned.1.call-start
scs
__scs_entry_jumppad:
0x0: {  	(pc) =	sbr.rel $0x88, $3  }
0x1: {  	(tag) =	ssettag $0x0;
	lr =	simm.s32 $0x1  }
0x2: {  	[smem:$0x3F9A] =	sst lr;
	_ =	strace $0xD0000000  }
0x3: {  	_ = 	snop  }
0x4: {  	_ = 	snop  }
0x5: {  	_ = 	snop  }
0x6: {  	_ = 	snop  }
0x7: {  	_ = 	snop  }
__scs_overlays_trampoline_lowered:
0x8: {  	[smem:$0x3FA9] =	sst s0  }
0x9: {  	[smem:$0x3FAA] =	sst s1  }
0xa: {  	[smem:$0x3FAB] =	sst s2  }
0xb: {  	[smem:$0x3FAC] =	sst s3  }
0xc: {  	[smem:$0x3FAD] =	sst s4  }
0xd: {  	[smem:$0x3FAE] =	sst s5  }
0xe: {  	[smem:$0x3FAF] =	sst s6  }
0xf: {  	[smem:$0x3FB0] =	sst s7  }
0x10: {  	[smem:$0x3FB1] =	sst s8  }
0x11: {  	[smem:$0x3FB2] =	sst s9;
	s0 =	simm.s32 @!p0 $0x0  }
0x12: {  	s1 =	sld [smem:$0x3F98];
	s0 =	simm.s32 @p0 $0x1  }
0x13: {  	[smem:$0x3FB3] =	sst s0;
	s0 =	simm.s32 @!p1 $0x0  }
0x14: {  	s2 =	sld [smem:$0x3F97];
	s0 =	simm.s32 @p1 $0x1  }
0x15: {  	[smem:$0x3FB4] =	sst s0;
	s0 =	simm.s32 @!p2 $0x0  }
0x16: {  	s3 =	sld [smem:$0x3FDB];
	s0 =	simm.s32 @p2 $0x1  }
0x17: {  	s4 =	simm.s32 $0x1BF5;
	[smem:$0x3FB6] =	sst s0  }
0x18: {  	s0 =	sld [smem:$0x3F99];
	_ =	swait.ge [sflag:s4], $0x0  }
0x19: {  	s7 =	sld [smem:$0x3F9A]  }
0x1a: {  	s8 =	sadd.s32 $0xFFFFE003, lr  }
0x1b: {  	s9 =	sadd.s32 $0xFFFFFEF7, lr;
	s5 =	simm.s32 $0xFFFFFFFF;
	p2 =	slt.u32 s8, $0xFFFFF086  }
0x1c: {  	p1 =	slt.u32 s9, $0xF7A;
	s5 =	simm.s32 @!p2 $0x0  }
0x1d: {  	s5 =	simm.s32 @p1 $0x1;
	p0 =	seq.s32 s7, s2  }
0x1e: {  	s7 =	smul.u32 @!p0 $0xF7A, s2;
	p2 =	seq.s32 @!p0 s5, $0x0  }
0x1f: {  	s9 =	smul.u32 $0xF7A, s1;
	s8 =	simm.s32 @!p0 $0x1BF5;
	p2 =	por !p2, p0  }
0x20: {  	[sflag:s8] =	ssyncset.s32 @!p0 $0xFFFFF086;
	s6 =	sadd.s32 @!p0 s3, s7;
	s7 =	simm.s32 @!p0 $0x108  }
0x21: {  	s3 =	sadd.s32 s3, s9;
	s6 =	sadd.s32 @!p0 $0x88, s6;
	s7 =	simm.s32 @p2 $0x1082  }
0x22: {  	[simem:s7], [sflag:s8] =	dma.local @!p0 [hbm:s6], $0xF7A  }
0x23: {  	s9 =	sor.u32 $0xD0000000, s2;
	s6 =	simm.s32 $0x108;
	_ =	swait.ge @!p0 [sflag:s8], $0x0  }
0x24: {  	s3 =	sadd.s32 $0x88, s3;
	s6 =	simm.s32 @!p1 $0x1082;
	[sflag:s4] =	ssyncset.s32 $0xFFFFF086  }
0x25: {  	[simem:s6], [sflag:s4] =	dma.local [hbm:s3], $0xF7A  }
0x26: {  	[smem:$0x3F9A] =	sst s1;
	(tag) =	ssettag s2;
	_ =	strace s9  }
0x27: {  	s1 =	sld [smem:$0x3FAA]  }
0x28: {  	s2 =	sld [smem:$0x3FAB]  }
0x29: {  	s4 =	sld [smem:$0x3FAD]  }
0x2a: {  	p0 =	seq.s32 s5, $0x0;
	s5 =	sld [smem:$0x3FAE]  }
0x2b: {  	s6 =	sld [smem:$0x3FAF]  }
0x2c: {  	s7 =	sld [smem:$0x3FB0]  }
0x2d: {  	s3 =	simm.s32 $0x108;
	s8 =	sld [smem:$0x3FB1]  }
0x2e: {  	s3 =	simm.s32 @!p0 $0x1082;
	s9 =	sld [smem:$0x3FB2]  }
0x2f: {  	lr =	sadd.s32 s0, s3;
	s0 =	sld [smem:$0x3FA9]  }
0x30: {  	s3 =	sld [smem:$0x3FAC]  }
0x31: {  	[smem:$0x3FB5] =	sst s10  }
0x32: {  	s10 =	sld [smem:$0x3FB3];
	_ =	sdelay $0x3  }
0x33: {  	p0 =	seq.s32 s10, $0x1;
	s10 =	sld [smem:$0x3FB5];
	_ =	sdelay $0x3  }
0x34: {  	[smem:$0x3FB5] =	sst s10  }
0x35: {  	s10 =	sld [smem:$0x3FB4];
	_ =	sdelay $0x3  }
0x36: {  	p1 =	seq.s32 s10, $0x1;
	s10 =	sld [smem:$0x3FB5];
	_ =	sdelay $0x3  }
0x37: {  	[smem:$0x3FB5] =	sst s10  }
0x38: {  	s10 =	sld [smem:$0x3FB6]  }
0x39: {  	_ = 	snop;
	(pc) =	sbr.ind lr, $3  }
0x3a: {  	_ = 	snop  }
0x3b: {  	_ = 	snop  }
0x3c: {  	p2 =	seq.s32 s10, $0x1;
	s10 =	sld [smem:$0x3FB5]  }
0x3d: {  	_ =	shalt  }
0x3e: {  	_ =	shalt  }
0x3f: {  	_ =	shalt  }
0x40: {  	_ =	shalt  }
0x41: {  	_ =	shalt  }
0x42: {  	_ =	shalt  }
0x43: {  	_ =	shalt  }
0x44: {  	_ =	shalt  }
0x45: {  	_ =	shalt  }
0x46: {  	_ =	shalt  }
0x47: {  	_ =	shalt  }
0x48: {  	_ =	shalt  }
0x49: {  	_ =	shalt  }
0x4a: {  	_ =	shalt  }
0x4b: {  	_ =	shalt  }
0x4c: {  	_ =	shalt  }
0x4d: {  	_ =	shalt  }
0x4e: {  	_ =	shalt  }
0x4f: {  	_ =	shalt  }
0x50: {  	_ =	shalt  }
0x51: {  	_ =	shalt  }
0x52: {  	_ =	shalt  }
0x53: {  	_ =	shalt  }
0x54: {  	_ =	shalt  }
0x55: {  	_ =	shalt  }
0x56: {  	_ =	shalt  }
0x57: {  	_ =	shalt  }
0x58: {  	_ =	shalt  }
0x59: {  	_ =	shalt  }
0x5a: {  	_ =	shalt  }
0x5b: {  	_ =	shalt  }
0x5c: {  	_ =	shalt  }
0x5d: {  	_ =	shalt  }
0x5e: {  	_ =	shalt  }
0x5f: {  	_ =	shalt  }
0x60: {  	_ =	shalt  }
0x61: {  	_ =	shalt  }
0x62: {  	_ =	shalt  }
0x63: {  	_ =	shalt  }
0x64: {  	_ =	shalt  }
0x65: {  	_ =	shalt  }
0x66: {  	_ =	shalt  }
0x67: {  	_ =	shalt  }
0x68: {  	_ =	shalt  }
0x69: {  	_ =	shalt  }
0x6a: {  	_ =	shalt  }
0x6b: {  	_ =	shalt  }
0x6c: {  	_ =	shalt  }
0x6d: {  	_ =	shalt  }
0x6e: {  	_ =	shalt  }
0x6f: {  	_ =	shalt  }
0x70: {  	_ =	shalt  }
0x71: {  	_ =	shalt  }
0x72: {  	_ =	shalt  }
0x73: {  	_ =	shalt  }
0x74: {  	_ =	shalt  }
0x75: {  	_ =	shalt  }
0x76: {  	_ =	shalt  }
0x77: {  	_ =	shalt  }
0x78: {  	_ =	shalt  }
0x79: {  	_ =	shalt  }
0x7a: {  	_ =	shalt  }
0x7b: {  	_ =	shalt  }
0x7c: {  	_ =	shalt  }
0x7d: {  	_ =	shalt  }
0x7e: {  	_ =	shalt  }
0x7f: {  	_ =	shalt  }
0x80: {  	_ =	shalt  }
0x81: {  	_ =	shalt  }
0x82: {  	_ =	shalt  }
0x83: {  	_ =	shalt  }
0x84: {  	_ =	shalt  }
0x85: {  	_ =	shalt  }
0x86: {  	_ =	shalt  }
0x87: {  	_ =	shalt  }
.Lfunc_end0:
.L_simem_size_0:
called_computation.1_lowered:
.L_overlay_start_0:
0x88: {  	s2 =	sld [smem:$0x3FD9]  }
0x89: {  	s3 =	sld [smem:$0x3FFE];
	_ =	sdelay $0x1  }
0x8a: {  	s1 =	srdreg.scid  }
0x8b: {  	s0 =	sand.u32 $0x1, s1  }
0x8c: {  	s17 =	sshll.u32 s0, $0xA;
	s2 =	sadd.s32 s3, s2  }
0x8d: {  	s2 =	sadd.s32 s2, s17  }
0x8e: {  	[smem:$0x3FC1] =	sst s2  }
0x8f: {  	_ = 	snop  }
0x90: {  	s2 =	sld [smem:$0x3FD0];
	(tm) =	ssettm $0x1  }
0x91: {  	s18 =	sld [smem:$0x3FFB];
	_ =	sdelay $0x3  }
0x92: {  	_ =	strace s18  }
0x93: {  	s3 =	sld [smem:$0x3FFC];
	_ =	sdelay $0x3  }
0x94: {  	_ =	strace s3  }
0x95: {  	s3 =	sld [smem:$0x3FFD];
	_ =	sdelay $0x3  }
0x96: {  	_ =	strace s3  }
0x97: {  	_ =	strace $0x8FFFFFFF  }
0x98: {  	s19 =	sld [smem:$0x3FDB];
	_ =	sdelay $0x1  }
0x99: {  	s4 =	simm.s32 $_scs_section_size  }
0x9a: {  	s5 =	simm.s32 $_size__tile_overlayer_lowered;
	s6 =	simm.s32 $_tile_overlayer_lowered  }
0x9b: {  	s22 =	simm.s32 $0x1BFF;
	s21 =	sshll.u32 s6, $0x1;
	s3 =	sadd.s32 s4, s19  }
0x9c: {  	s7 =	simm.s32 $0x0;
	s20 =	sshll.u32 s5, $0x1;
	s5 =	sadd.s32 s21, s3  }
0x9d: {  	[timem:s7], [sflag:s22] =	dma.local [hbm:s5], s20  }
0x9e: {  	_ =	swait.ge [sflag:s22], s20  }
0x9f: {  	s4 =	ssub.s32 $0x0, s20;
	[sflag:s22] =	ssyncset.done $0x0  }
0xa0: {  	[sflag:s22] =	ssyncadd.s32 s4;
	_ =	sdelay $0x1  }
0xa1: {  	s23 =	simm.s32 $0x1B8B  }
0xa2: {  	_ =	swait.ge [sflag:s23], $0x1  }
0xa3: {  	[sflag:s23] =	ssyncset.done $0x0  }
0xa4: {  	s25 =	simm.s32 $0x1B8E;
	s24 =	sld [smem:$0x3FFE];
	[sflag:s23] =	ssyncadd.s32 $0xFFFFFFFF  }
0xa5: {  	s26 =	simm.s32 $execute0_lowered;
	[smem:$0x3FD2] =	sst s25  }
0xa6: {  	s5 =	sshll.u32 s26, $0x1;
	_ =	strace $0x80000049;
	[dreg:$0x1] =	wrdreg $0xFFFFFFFF  }
0xa7: {  	s28 =	simm.s32 $_size_execute0_lowered;
	s3 =	sadd.s32 s3, s5;
	[dreg:$0x0] =	wrdreg $0x0  }
0xa8: {  	s5 =	sshll.u32 s28, $0x1;
	[dreg:$0x2] =	wrdreg s3  }
0xa9: {  	[dreg:$0x3] =	wrdreg s5  }
0xaa: {  	[dreg:$0x4] =	wrdreg $0xC0  }
0xab: {  	_ =	task [dreg:s7], $0x5FFFF  }
0xac: {  	[dreg:$0x1] =	wrdreg $0xFFFFFFFF  }
0xad: {  	[dreg:$0x0] =	wrdreg $0x60  }
0xae: {  	[dreg:$0x2] =	wrdreg s24  }
0xaf: {  	[dreg:$0x3] =	wrdreg s2  }
0xb0: {  	[dreg:$0x4] =	wrdreg $0x9  }
0xb1: {  	_ =	task.clear_ibuf [dreg:s7], $0x5FFFF;
	_ =	strace $0x90000049  }
0xb2: {  	s29 =	simm.s32 $0x9;
	_ =	strace $0x8000004B  }
0xb3: {  	_ =	swait.ge [sflag:s29], $0x1  }
0xb4: {  	[sflag:s29] =	ssyncadd.s32 $0xFFFFFFFF  }
0xb5: {  	_ =	strace $0x9000004B  }
0xb6: {  	_ =	sfence  }
0xb7: {  	s30 =	sld [smem:$0x0];
	_ =	sdelay $0x2  }
0xb8: {  	s31 =	sshll.u32 s1, $0xD;
	s1 =	sshrl.u32 s1, $0x2  }
0xb9: {  	s3 =	sand.u32 $0x4000, s31;
	s1 =	sadd.s32 s1, s30  }
0xba: {  	s0 =	sor.u32 s3, s0;
	s1 =	sshll.u32 s1, $0x11  }
0xbb: {  	s0 =	sor.u32 s1, s0  }
0xbc: {  	s0 =	sadd.s32 $0x8F2B, s0  }
0xbd: {  	[sflag:s0] =	ssyncadd.remote.s32 $0x1  }
0xbe: {  	_ =	sfence.sel $0xFFFF  }
0xbf: {  	[dreg:$0x0] =	wrdreg $0xFFFFFFFF;
	(pc) =	sbr.abs _section_cstart, $3  }
0xc0: {  	[dreg:$0x1] =	wrdreg $0xFFFFFFFF  }
0xc1: {  	_ =	task.clear_ibuf [dreg:s7], $0x2FFFF;
	_ =	strace $0x9FFFFFFF  }
0xc2: {  	(tm) =	ssettm $0x7FFFFFFF  }
0xc3: {  	_ =	shalt  }
tec
execute0_lowered:
.L_overlay_start_1:
0x0: {  	(tag) =	ssettag $0x1  }
0x1: {  	s0 =	rddreg [dreg:$0x0]  }
0x2: {  	s1 =	rddreg [dreg:$0x1]  }
0x3: {  	s2 =	simm.s32 $0x0;
	s3 =	srdreg.scid;
	s4 =	stileid.u32  }
0x4: {  	s18 =	simm.s32 $0x1;
	s20 =	simm.s32 $0x880;
	s21 =	simm.s32 $0x1080  }
0x5: {  	s22 =	simm.s32 $0x1880;
	s28 =	simm.s32 $0x4080;
	s29 =	simm.s32 $0x4880  }
0x6: {  	s30 =	simm.s32 $0x5080;
	s31 =	simm.s32 $0x5880;
	s11 =	simm.s32 $0x7880  }
0x7: {  	s12 =	simm.s32 $0x8080;
	s13 =	simm.s32 $0x8880;
	s14 =	simm.s32 $0x9080  }
0x8: {  	s15 =	simm.s32 $0x9880;
	s16 =	simm.s32 $0xA080;
	s17 =	simm.s32 $0xA880  }
0x9: {  	[smem:$0x7FF] =	sst s2;
	s3 =	sand.u32 $0x1, s3;
	s4 =	sshll.u32 s4, $0x1  }
0xa: {  	s6 =	sadd.s32 $0x51A00, s0;
	_ =	strace $0x8000004A;
	s5 =	sor.u32 s3, s4  }
0xb: {  	s23 =	ssub.s32 $0x2, s3;
	s3 =	sadd.s32 $0x1A00, s0;
	s4 =	sadd.s32 $0x1B00, s0  }
0xc: {  	s7 =	sshll.u32 s5, $0x4;
	s8 =	sshrl.u32 s23, $0x1;
	s24 =	sshll.u32 s5, $0x7  }
0xd: {  	s9 =	sshll.u32 s5, $0xE;
	s5 =	sadd.s32 $0x1C00, s0;
	s7 =	sadd.s32 s6, s7  }
0xe: {  	s8 =	ssub.s32 s23, s8;
	s9 =	sadd.s32 s1, s9;
	[dreg:$0x3] =	wrdreg s7  }
0xf: {  	s23 =	simm.s32 $0x2080;
	s7 =	sor.u32 $0x40, s24;
	[dreg:$0x4] =	wrdreg s9  }
0x10: {  	s24 =	simm.s32 $0x2880;
	s9 =	simm.s32 $0xB080;
	s10 =	sshrl.u32 s7, $0x3  }
0x11: {  	s7 =	sshll.u32 s7, $0x7;
	s25 =	sadd.s32 s6, s10;
	s6 =	sadd.s32 $0x1D00, s0  }
0x12: {  	v2 =	vlaneseq.u32;
	s26 =	sadd.s32 s1, s7;
	s7 =	smax.u32 s8, $0x1;
	s8 =	simm.s32 $0x2  }
0x13: {  	vm0 =	vmmov $0xffff;
	v1 =	vshrl.u32 v2, $0x3;
	s0 =	simm.s32 $0x80;
	s10 =	simm.s32 $0x7080;
	[dreg:$0x5] =	wrdreg s25  }
0x14: {  	v0 =	vand.u32 $0x7, v2;
	v2 =	vor.u32 $0x8, v2;
	v1 =	vmul.u32 $0x8, v1;
	[dreg:$0x6] =	wrdreg s26;
	s25 =	simm.s32 $0x3080;
	s26 =	simm.s32 $0x3880  }
.LBB2_1:
0x15: {  	s19 =	rddreg [dreg:$0x3]  }
0x16: {  	[tilespmem:s2], [sflag:$0x2] =	stream.linear.gather [hbm4b:s19+s2], $0x40, $0x38;
	[tilespmem:$0x10080] =	vst v63  }
0x17: {  	_ =	swait.ge [sflag:s8], $0x40  }
0x18: {  	[sflag:s8] =	ssyncset.done $0x0  }
0x19: {  	[sflag:s8] =	ssyncadd.s32 $0xFFFFFFC0  }
0x1a: {  	v3 =	vld [tilespmem:$0x0];
	_ =	sdelay $0x4  }
0x1b: {  	v4 =	vshll.u32 v3, $0x3  }
0x1c: {  	v3 =	vand.u32 $0x7, v3;
	v4 =	vand.u32 $0xFFFFFFC0, v4  }
0x1d: {  	v3 =	vor.u32 v3, v4  }
0x1e: {  	v4 =	vperm.xlane v3, v0;
	_ =	sdelay $0x1  }
0x1f: {  	v4 =	vadd.s32 v1, v4;
	_ =	sdelay $0x4  }
0x20: {  	[tilespmem:s0], [sflag:$0x1] =	stream.indirect_vreg.gather [hbm4b:s3+s2], $0x80, v4, vm0, $0xb8;
	[tilespmem:$0x10080] =	vst v63  }
0x21: {  	v3 =	vperm.xlane v3, v2  }
0x22: {  	[tilespmem:s20], [sflag:$0x1] =	stream.indirect_vreg.gather [hbm4b:s4+s2], $0x80, v4, vm0, $0xb8;
	[tilespmem:$0x10080] =	vst v63  }
0x23: {  	v3 =	vadd.s32 v1, v3  }
0x24: {  	[tilespmem:s21], [sflag:$0x1] =	stream.indirect_vreg.gather [hbm4b:s5+s2], $0x80, v4, vm0, $0xb8;
	[tilespmem:$0x10080] =	vst v63  }
0x25: {  	_ = 	snop  }
0x26: {  	[tilespmem:s22], [sflag:$0x1] =	stream.indirect_vreg.gather [hbm4b:s6+s2], $0x80, v4, vm0, $0xb8;
	[tilespmem:$0x10080] =	vst v63  }
0x27: {  	_ = 	snop  }
0x28: {  	[tilespmem:s23], [sflag:$0x1] =	stream.indirect_vreg.gather [hbm4b:s3+s2], $0x80, v3, vm0, $0xb8;
	[tilespmem:$0x10080] =	vst v63  }
0x29: {  	_ = 	snop  }
0x2a: {  	[tilespmem:s24], [sflag:$0x1] =	stream.indirect_vreg.gather [hbm4b:s4+s2], $0x80, v3, vm0, $0xb8;
	[tilespmem:$0x10080] =	vst v63  }
0x2b: {  	_ = 	snop  }
0x2c: {  	[tilespmem:s25], [sflag:$0x1] =	stream.indirect_vreg.gather [hbm4b:s5+s2], $0x80, v3, vm0, $0xb8;
	[tilespmem:$0x10080] =	vst v63  }
0x2d: {  	_ = 	snop  }
0x2e: {  	[tilespmem:s26], [sflag:$0x1] =	stream.indirect_vreg.gather [hbm4b:s6+s2], $0x80, v3, vm0, $0xb8;
	[tilespmem:$0x10080] =	vst v63  }
0x2f: {  	v3 =	vld [tilespmem:$0x10];
	_ =	sdelay $0x4  }
0x30: {  	v57 =	vshll.u32 v3, $0x3  }
0x31: {  	v3 =	vand.u32 $0x7, v3;
	v4 =	vand.u32 $0xFFFFFFC0, v57  }
0x32: {  	v3 =	vor.u32 v3, v4  }
0x33: {  	v4 =	vperm.xlane v3, v0;
	_ =	sdelay $0x1  }
0x34: {  	v4 =	vadd.s32 v1, v4;
	_ =	sdelay $0x4  }
0x35: {  	[tilespmem:s28], [sflag:$0x1] =	stream.indirect_vreg.gather [hbm4b:s3+s2], $0x80, v4, vm0, $0xb8;
	[tilespmem:$0x10080] =	vst v63  }
0x36: {  	v3 =	vperm.xlane v3, v2  }
0x37: {  	[tilespmem:s29], [sflag:$0x1] =	stream.indirect_vreg.gather [hbm4b:s4+s2], $0x80, v4, vm0, $0xb8;
	[tilespmem:$0x10080] =	vst v63  }
0x38: {  	v3 =	vadd.s32 v1, v3  }
0x39: {  	[tilespmem:s30], [sflag:$0x1] =	stream.indirect_vreg.gather [hbm4b:s5+s2], $0x80, v4, vm0, $0xb8;
	[tilespmem:$0x10080] =	vst v63  }
0x3a: {  	_ = 	snop  }
0x3b: {  	[tilespmem:s31], [sflag:$0x1] =	stream.indirect_vreg.gather [hbm4b:s6+s2], $0x80, v4, vm0, $0xb8;
	[tilespmem:$0x10080] =	vst v63  }
0x3c: {  	s1 =	simm.s32 $0x6080  }
0x3d: {  	[tilespmem:s1], [sflag:$0x1] =	stream.indirect_vreg.gather [hbm4b:s3+s2], $0x80, v3, vm0, $0xb8;
	[tilespmem:$0x10080] =	vst v63  }
0x3e: {  	s1 =	simm.s32 $0x6880  }
0x3f: {  	[tilespmem:s1], [sflag:$0x1] =	stream.indirect_vreg.gather [hbm4b:s4+s2], $0x80, v3, vm0, $0xb8;
	[tilespmem:$0x10080] =	vst v63  }
0x40: {  	_ = 	snop  }
0x41: {  	[tilespmem:s10], [sflag:$0x1] =	stream.indirect_vreg.gather [hbm4b:s5+s2], $0x80, v3, vm0, $0xb8;
	[tilespmem:$0x10080] =	vst v63  }
0x42: {  	_ = 	snop  }
0x43: {  	[tilespmem:s11], [sflag:$0x1] =	stream.indirect_vreg.gather [hbm4b:s6+s2], $0x80, v3, vm0, $0xb8;
	[tilespmem:$0x10080] =	vst v63  }
0x44: {  	v3 =	vld [tilespmem:$0x20];
	_ =	sdelay $0x4  }
0x45: {  	v58 =	vshll.u32 v3, $0x3  }
0x46: {  	v3 =	vand.u32 $0x7, v3;
	v4 =	vand.u32 $0xFFFFFFC0, v58  }
0x47: {  	v3 =	vor.u32 v3, v4  }
0x48: {  	v4 =	vperm.xlane v3, v0;
	_ =	sdelay $0x1  }
0x49: {  	v4 =	vadd.s32 v1, v4;
	_ =	sdelay $0x4  }
0x4a: {  	[tilespmem:s12], [sflag:$0x1] =	stream.indirect_vreg.gather [hbm4b:s3+s2], $0x80, v4, vm0, $0xb8;
	[tilespmem:$0x10080] =	vst v63  }
0x4b: {  	v3 =	vperm.xlane v3, v2  }
0x4c: {  	[tilespmem:s13], [sflag:$0x1] =	stream.indirect_vreg.gather [hbm4b:s4+s2], $0x80, v4, vm0, $0xb8;
	[tilespmem:$0x10080] =	vst v63  }
0x4d: {  	v3 =	vadd.s32 v1, v3  }
0x4e: {  	[tilespmem:s14], [sflag:$0x1] =	stream.indirect_vreg.gather [hbm4b:s5+s2], $0x80, v4, vm0, $0xb8;
	[tilespmem:$0x10080] =	vst v63  }
0x4f: {  	_ = 	snop  }
0x50: {  	[tilespmem:s15], [sflag:$0x1] =	stream.indirect_vreg.gather [hbm4b:s6+s2], $0x80, v4, vm0, $0xb8;
	[tilespmem:$0x10080] =	vst v63  }
0x51: {  	_ = 	snop  }
0x52: {  	[tilespmem:s16], [sflag:$0x1] =	stream.indirect_vreg.gather [hbm4b:s3+s2], $0x80, v3, vm0, $0xb8;
	[tilespmem:$0x10080] =	vst v63  }
0x53: {  	_ = 	snop  }
0x54: {  	[tilespmem:s17], [sflag:$0x1] =	stream.indirect_vreg.gather [hbm4b:s4+s2], $0x80, v3, vm0, $0xb8;
	[tilespmem:$0x10080] =	vst v63  }
0x55: {  	_ = 	snop  }
0x56: {  	[tilespmem:s9], [sflag:$0x1] =	stream.indirect_vreg.gather [hbm4b:s5+s2], $0x80, v3, vm0, $0xb8;
	[tilespmem:$0x10080] =	vst v63  }
0x57: {  	s19 =	simm.s32 $0xB880  }
0x58: {  	[tilespmem:s19], [sflag:$0x1] =	stream.indirect_vreg.gather [hbm4b:s6+s2], $0x80, v3, vm0, $0xb8;
	[tilespmem:$0x10080] =	vst v63  }
0x59: {  	v3 =	vld [tilespmem:$0x30];
	_ =	sdelay $0x4  }
0x5a: {  	v59 =	vshll.u32 v3, $0x3  }
0x5b: {  	v3 =	vand.u32 $0x7, v3;
	v4 =	vand.u32 $0xFFFFFFC0, v59  }
0x5c: {  	v3 =	vor.u32 v3, v4  }
0x5d: {  	v4 =	vperm.xlane v3, v0;
	_ =	sdelay $0x1  }
0x5e: {  	v4 =	vadd.s32 v1, v4;
	_ =	sdelay $0x3  }
0x5f: {  	s19 =	simm.s32 $0xC080  }
0x60: {  	[tilespmem:s19], [sflag:$0x1] =	stream.indirect_vreg.gather [hbm4b:s3+s2], $0x80, v4, vm0, $0xb8;
	[tilespmem:$0x10080] =	vst v63  }
0x61: {  	v3 =	vperm.xlane v3, v2;
	s19 =	simm.s32 $0xC880  }
0x62: {  	[tilespmem:s19], [sflag:$0x1] =	stream.indirect_vreg.gather [hbm4b:s4+s2], $0x80, v4, vm0, $0xb8;
	[tilespmem:$0x10080] =	vst v63  }
0x63: {  	v3 =	vadd.s32 v1, v3;
	s19 =	simm.s32 $0xD080  }
0x64: {  	[tilespmem:s19], [sflag:$0x1] =	stream.indirect_vreg.gather [hbm4b:s5+s2], $0x80, v4, vm0, $0xb8;
	[tilespmem:$0x10080] =	vst v63  }
0x65: {  	s19 =	simm.s32 $0xD880  }
0x66: {  	[tilespmem:s19], [sflag:$0x1] =	stream.indirect_vreg.gather [hbm4b:s6+s2], $0x80, v4, vm0, $0xb8;
	[tilespmem:$0x10080] =	vst v63  }
0x67: {  	s19 =	simm.s32 $0xE080  }
0x68: {  	[tilespmem:s19], [sflag:$0x1] =	stream.indirect_vreg.gather [hbm4b:s3+s2], $0x80, v3, vm0, $0xb8;
	[tilespmem:$0x10080] =	vst v63  }
0x69: {  	s19 =	simm.s32 $0xE880  }
0x6a: {  	[tilespmem:s19], [sflag:$0x1] =	stream.indirect_vreg.gather [hbm4b:s4+s2], $0x80, v3, vm0, $0xb8;
	[tilespmem:$0x10080] =	vst v63  }
0x6b: {  	s19 =	simm.s32 $0xF080  }
0x6c: {  	[tilespmem:s19], [sflag:$0x1] =	stream.indirect_vreg.gather [hbm4b:s5+s2], $0x80, v3, vm0, $0xb8;
	[tilespmem:$0x10080] =	vst v63  }
0x6d: {  	s19 =	simm.s32 $0xF880  }
0x6e: {  	[tilespmem:s19], [sflag:$0x1] =	stream.indirect_vreg.gather [hbm4b:s6+s2], $0x80, v3, vm0, $0xb8;
	[tilespmem:$0x10080] =	vst v63  }
0x6f: {  	_ =	swait.ge [sflag:s18], $0x10000  }
0x70: {  	[sflag:s18] =	ssyncset.done $0x0  }
0x71: {  	s19 =	rddreg [dreg:$0x4];
	[sflag:s18] =	ssyncadd.s32 $0xFFFF0000  }
0x72: {  	[hbm4b:s19+s2] =	stream.linear.scatter [tilespmem:s0], [sflag:$0x2], $0x10000, $0x38;
	[tilespmem:$0x10080] =	vst v63  }
0x73: {  	_ =	swait.ge [sflag:s8], $0x10000  }
0x74: {  	[sflag:s8] =	ssyncset.done $0x0  }
0x75: {  	s19 =	rddreg [dreg:$0x5];
	[sflag:s8] =	ssyncadd.s32 $0xFFFF0000  }
0x76: {  	[tilespmem:s2], [sflag:$0x2] =	stream.linear.gather [hbm4b:s19+s2], $0x40, $0x38;
	[tilespmem:$0x10080] =	vst v63  }
0x77: {  	_ =	swait.ge [sflag:s8], $0x40  }
0x78: {  	[sflag:s8] =	ssyncset.done $0x0  }
0x79: {  	[sflag:s8] =	ssyncadd.s32 $0xFFFFFFC0  }
0x7a: {  	v3 =	vld [tilespmem:$0x0];
	_ =	sdelay $0x4  }
0x7b: {  	v60 =	vshll.u32 v3, $0x3  }
0x7c: {  	v3 =	vand.u32 $0x7, v3;
	v4 =	vand.u32 $0xFFFFFFC0, v60  }
0x7d: {  	v3 =	vor.u32 v3, v4  }
0x7e: {  	v4 =	vperm.xlane v3, v0;
	_ =	sdelay $0x1  }
0x7f: {  	v4 =	vadd.s32 v1, v4;
	_ =	sdelay $0x4  }
0x80: {  	[tilespmem:s0], [sflag:$0x1] =	stream.indirect_vreg.gather [hbm4b:s3+s2], $0x80, v4, vm0, $0xb8;
	[tilespmem:$0x10080] =	vst v63  }
0x81: {  	v3 =	vperm.xlane v3, v2  }
0x82: {  	[tilespmem:s20], [sflag:$0x1] =	stream.indirect_vreg.gather [hbm4b:s4+s2], $0x80, v4, vm0, $0xb8;
	[tilespmem:$0x10080] =	vst v63  }
0x83: {  	v3 =	vadd.s32 v1, v3  }
0x84: {  	[tilespmem:s21], [sflag:$0x1] =	stream.indirect_vreg.gather [hbm4b:s5+s2], $0x80, v4, vm0, $0xb8;
	[tilespmem:$0x10080] =	vst v63  }
0x85: {  	_ = 	snop  }
0x86: {  	[tilespmem:s22], [sflag:$0x1] =	stream.indirect_vreg.gather [hbm4b:s6+s2], $0x80, v4, vm0, $0xb8;
	[tilespmem:$0x10080] =	vst v63  }
0x87: {  	_ = 	snop  }
0x88: {  	[tilespmem:s23], [sflag:$0x1] =	stream.indirect_vreg.gather [hbm4b:s3+s2], $0x80, v3, vm0, $0xb8;
	[tilespmem:$0x10080] =	vst v63  }
0x89: {  	_ = 	snop  }
0x8a: {  	[tilespmem:s24], [sflag:$0x1] =	stream.indirect_vreg.gather [hbm4b:s4+s2], $0x80, v3, vm0, $0xb8;
	[tilespmem:$0x10080] =	vst v63  }
0x8b: {  	_ = 	snop  }
0x8c: {  	[tilespmem:s25], [sflag:$0x1] =	stream.indirect_vreg.gather [hbm4b:s5+s2], $0x80, v3, vm0, $0xb8;
	[tilespmem:$0x10080] =	vst v63  }
0x8d: {  	_ = 	snop  }
0x8e: {  	[tilespmem:s26], [sflag:$0x1] =	stream.indirect_vreg.gather [hbm4b:s6+s2], $0x80, v3, vm0, $0xb8;
	[tilespmem:$0x10080] =	vst v63  }
0x8f: {  	v3 =	vld [tilespmem:$0x10];
	_ =	sdelay $0x4  }
0x90: {  	v61 =	vshll.u32 v3, $0x3  }
0x91: {  	v3 =	vand.u32 $0x7, v3;
	v4 =	vand.u32 $0xFFFFFFC0, v61  }
0x92: {  	v3 =	vor.u32 v3, v4  }
0x93: {  	v4 =	vperm.xlane v3, v0;
	_ =	sdelay $0x1  }
0x94: {  	v4 =	vadd.s32 v1, v4;
	_ =	sdelay $0x4  }
0x95: {  	[tilespmem:s28], [sflag:$0x1] =	stream.indirect_vreg.gather [hbm4b:s3+s2], $0x80, v4, vm0, $0xb8;
	[tilespmem:$0x10080] =	vst v63  }
0x96: {  	v3 =	vperm.xlane v3, v2  }
0x97: {  	[tilespmem:s29], [sflag:$0x1] =	stream.indirect_vreg.gather [hbm4b:s4+s2], $0x80, v4, vm0, $0xb8;
	[tilespmem:$0x10080] =	vst v63  }
0x98: {  	v3 =	vadd.s32 v1, v3  }
0x99: {  	[tilespmem:s30], [sflag:$0x1] =	stream.indirect_vreg.gather [hbm4b:s5+s2], $0x80, v4, vm0, $0xb8;
	[tilespmem:$0x10080] =	vst v63  }
0x9a: {  	_ = 	snop  }
0x9b: {  	[tilespmem:s31], [sflag:$0x1] =	stream.indirect_vreg.gather [hbm4b:s6+s2], $0x80, v4, vm0, $0xb8;
	[tilespmem:$0x10080] =	vst v63  }
0x9c: {  	s19 =	simm.s32 $0x6080  }
0x9d: {  	[tilespmem:s19], [sflag:$0x1] =	stream.indirect_vreg.gather [hbm4b:s3+s2], $0x80, v3, vm0, $0xb8;
	[tilespmem:$0x10080] =	vst v63  }
0x9e: {  	_ = 	snop  }
0x9f: {  	[tilespmem:s1], [sflag:$0x1] =	stream.indirect_vreg.gather [hbm4b:s4+s2], $0x80, v3, vm0, $0xb8;
	[tilespmem:$0x10080] =	vst v63  }
0xa0: {  	_ = 	snop  }
0xa1: {  	[tilespmem:s10], [sflag:$0x1] =	stream.indirect_vreg.gather [hbm4b:s5+s2], $0x80, v3, vm0, $0xb8;
	[tilespmem:$0x10080] =	vst v63  }
0xa2: {  	_ = 	snop  }
0xa3: {  	[tilespmem:s11], [sflag:$0x1] =	stream.indirect_vreg.gather [hbm4b:s6+s2], $0x80, v3, vm0, $0xb8;
	[tilespmem:$0x10080] =	vst v63  }
0xa4: {  	v3 =	vld [tilespmem:$0x20];
	_ =	sdelay $0x4  }
0xa5: {  	v62 =	vshll.u32 v3, $0x3  }
0xa6: {  	v3 =	vand.u32 $0x7, v3;
	v4 =	vand.u32 $0xFFFFFFC0, v62  }
0xa7: {  	v3 =	vor.u32 v3, v4  }
0xa8: {  	v4 =	vperm.xlane v3, v0;
	_ =	sdelay $0x1  }
0xa9: {  	v4 =	vadd.s32 v1, v4;
	_ =	sdelay $0x4  }
0xaa: {  	[tilespmem:s12], [sflag:$0x1] =	stream.indirect_vreg.gather [hbm4b:s3+s2], $0x80, v4, vm0, $0xb8;
	[tilespmem:$0x10080] =	vst v63  }
0xab: {  	v3 =	vperm.xlane v3, v2  }
0xac: {  	[tilespmem:s13], [sflag:$0x1] =	stream.indirect_vreg.gather [hbm4b:s4+s2], $0x80, v4, vm0, $0xb8;
	[tilespmem:$0x10080] =	vst v63  }
0xad: {  	v3 =	vadd.s32 v1, v3  }
0xae: {  	[tilespmem:s14], [sflag:$0x1] =	stream.indirect_vreg.gather [hbm4b:s5+s2], $0x80, v4, vm0, $0xb8;
	[tilespmem:$0x10080] =	vst v63  }
0xaf: {  	_ = 	snop  }
0xb0: {  	[tilespmem:s15], [sflag:$0x1] =	stream.indirect_vreg.gather [hbm4b:s6+s2], $0x80, v4, vm0, $0xb8;
	[tilespmem:$0x10080] =	vst v63  }
0xb1: {  	_ = 	snop  }
0xb2: {  	[tilespmem:s16], [sflag:$0x1] =	stream.indirect_vreg.gather [hbm4b:s3+s2], $0x80, v3, vm0, $0xb8;
	[tilespmem:$0x10080] =	vst v63  }
0xb3: {  	_ = 	snop  }
0xb4: {  	[tilespmem:s17], [sflag:$0x1] =	stream.indirect_vreg.gather [hbm4b:s4+s2], $0x80, v3, vm0, $0xb8;
	[tilespmem:$0x10080] =	vst v63  }
0xb5: {  	_ = 	snop  }
0xb6: {  	[tilespmem:s9], [sflag:$0x1] =	stream.indirect_vreg.gather [hbm4b:s5+s2], $0x80, v3, vm0, $0xb8;
	[tilespmem:$0x10080] =	vst v63  }
0xb7: {  	s19 =	simm.s32 $0xB880  }
0xb8: {  	[tilespmem:s19], [sflag:$0x1] =	stream.indirect_vreg.gather [hbm4b:s6+s2], $0x80, v3, vm0, $0xb8;
	[tilespmem:$0x10080] =	vst v63  }
0xb9: {  	v3 =	vld [tilespmem:$0x30];
	_ =	sdelay $0x4  }
0xba: {  	v63 =	vshll.u32 v3, $0x3  }
0xbb: {  	v3 =	vand.u32 $0x7, v3;
	v4 =	vand.u32 $0xFFFFFFC0, v63  }
0xbc: {  	v3 =	vor.u32 v3, v4  }
0xbd: {  	v4 =	vperm.xlane v3, v0;
	_ =	sdelay $0x1  }
0xbe: {  	v4 =	vadd.s32 v1, v4;
	_ =	sdelay $0x3  }
0xbf: {  	s19 =	simm.s32 $0xC080  }
0xc0: {  	[tilespmem:s19], [sflag:$0x1] =	stream.indirect_vreg.gather [hbm4b:s3+s2], $0x80, v4, vm0, $0xb8;
	[tilespmem:$0x10080] =	vst v63  }
0xc1: {  	v3 =	vperm.xlane v3, v2;
	s19 =	simm.s32 $0xC880  }
0xc2: {  	[tilespmem:s19], [sflag:$0x1] =	stream.indirect_vreg.gather [hbm4b:s4+s2], $0x80, v4, vm0, $0xb8;
	[tilespmem:$0x10080] =	vst v63  }
0xc3: {  	v3 =	vadd.s32 v1, v3;
	s19 =	simm.s32 $0xD080  }
0xc4: {  	[tilespmem:s19], [sflag:$0x1] =	stream.indirect_vreg.gather [hbm4b:s5+s2], $0x80, v4, vm0, $0xb8;
	[tilespmem:$0x10080] =	vst v63  }
0xc5: {  	s19 =	simm.s32 $0xD880  }
0xc6: {  	[tilespmem:s19], [sflag:$0x1] =	stream.indirect_vreg.gather [hbm4b:s6+s2], $0x80, v4, vm0, $0xb8;
	[tilespmem:$0x10080] =	vst v63  }
0xc7: {  	s19 =	simm.s32 $0xE080  }
0xc8: {  	[tilespmem:s19], [sflag:$0x1] =	stream.indirect_vreg.gather [hbm4b:s3+s2], $0x80, v3, vm0, $0xb8;
	[tilespmem:$0x10080] =	vst v63  }
0xc9: {  	s19 =	simm.s32 $0xE880  }
0xca: {  	[tilespmem:s19], [sflag:$0x1] =	stream.indirect_vreg.gather [hbm4b:s4+s2], $0x80, v3, vm0, $0xb8;
	[tilespmem:$0x10080] =	vst v63  }
0xcb: {  	s19 =	simm.s32 $0xF080  }
0xcc: {  	[tilespmem:s19], [sflag:$0x1] =	stream.indirect_vreg.gather [hbm4b:s5+s2], $0x80, v3, vm0, $0xb8;
	[tilespmem:$0x10080] =	vst v63  }
0xcd: {  	s19 =	simm.s32 $0xF880  }
0xce: {  	[tilespmem:s19], [sflag:$0x1] =	stream.indirect_vreg.gather [hbm4b:s6+s2], $0x80, v3, vm0, $0xb8;
	[tilespmem:$0x10080] =	vst v63  }
0xcf: {  	_ =	swait.ge [sflag:s18], $0x10000  }
0xd0: {  	p0 =	sne.s32 s7, $0x1;
	[sflag:s18] =	ssyncset.done $0x0  }
.Ltmp0:
0xd1: {  	s1 =	rddreg [dreg:$0x6];
	[sflag:s18] =	ssyncadd.s32 $0xFFFF0000;
	(pc) =	sbr.rel @p0 .LBB2_1-.Ltmp0, $4  }
0xd2: {  	[hbm4b:s1+s2] =	stream.linear.scatter [tilespmem:s0], [sflag:$0x2], $0x10000, $0x38;
	[tilespmem:$0x10080] =	vst v63  }
0xd3: {  	_ =	swait.ge [sflag:s8], $0x10000  }
0xd4: {  	[sflag:s8] =	ssyncset.done $0x0  }
0xd5: {  	s7 =	sadd.s32 $0xFFFFFFFF, s7;
	[sflag:s8] =	ssyncadd.s32 $0xFFFF0000  }
0xd6: {  	_ =	sfence.sel $0x180000  }
0xd7: {  	[bflag:$0x0] =	sbarrier.arrive $0xFFFF  }
0xd8: {  	_ =	strace $0x9000004A  }
0xd9: {  	s0 =	stileid.u32;
	[bflag:$0x2] =	sbarrier.arrive $0xFFFF  }
0xda: {  	p0 =	sne.s32 s0, $0x0;
	s0 =	rddreg [dreg:$0x2]  }
0xdb: {  	s0 =	sadd.s32 @!p0 $0x100000, s0  }
0xdc: {  	[sflag:s0] =	ssyncadd.tile.s32 @!p0 $0x1;
	_ =	shalt  }
.Lfunc_end2:
_tile_overlayer_lowered:
.L_overlay_start_2:
0xdd: {  	(tag) =	ssettag $0x2  }
0xde: {  	s0 =	rddreg [dreg:$0x0];
	s2 =	stileid.u32  }
0xdf: {  	s1 =	rddreg [dreg:$0x1];
	p0 =	sne.s32 s2, $0x0  }
0xe0: {  	s3 =	rddreg [dreg:$0x2];
	[bflag:$0x3] =	sbarrier.arrive $0xFFFF;
	s2 =	simm.s32 @!p0 $0x1C02  }
0xe1: {  	[timem:s3], [sflag:s2] =	dma.local @!p0 [hbm:s0], s1  }
0xe2: {  	s0 =	simm.s32 @!p0 $0x2  }
0xe3: {  	_ =	swait.ge @!p0 [sflag:s0], s1  }
0xe4: {  	s1 =	ssub.s32 @!p0 $0x0, s1;
	[sflag:s0] =	ssyncset.done @!p0 $0x0  }
0xe5: {  	[sflag:s0] =	ssyncadd.s32 @!p0 s1  }
0xe6: {  	[bflag:$0x3] =	sbarrier.arrive $0xFFFF  }
0xe7: {  	_ =	shalt  }

// kernel: kernel.14.cloned.1.call-start
scs
__scs_entry_jumppad:
0x0: {  	(pc) =	sbr.rel $0x88, $3  }
0x1: {  	(tag) =	ssettag $0x0;
	lr =	simm.s32 $0x1  }
0x2: {  	[smem:$0x3F9A] =	sst lr;
	_ =	strace $0xD0000000  }
0x3: {  	_ = 	snop  }
0x4: {  	_ = 	snop  }
0x5: {  	_ = 	snop  }
0x6: {  	_ = 	snop  }
0x7: {  	_ = 	snop  }
__scs_overlays_trampoline_lowered:
0x8: {  	[smem:$0x3FA9] =	sst s0  }
0x9: {  	[smem:$0x3FAA] =	sst s1  }
0xa: {  	[smem:$0x3FAB] =	sst s2  }
0xb: {  	[smem:$0x3FAC] =	sst s3  }
0xc: {  	[smem:$0x3FAD] =	sst s4  }
0xd: {  	[smem:$0x3FAE] =	sst s5  }
0xe: {  	[smem:$0x3FAF] =	sst s6  }
0xf: {  	[smem:$0x3FB0] =	sst s7  }
0x10: {  	[smem:$0x3FB1] =	sst s8  }
0x11: {  	[smem:$0x3FB2] =	sst s9;
	s0 =	simm.s32 @!p0 $0x0  }
0x12: {  	s1 =	sld [smem:$0x3F98];
	s0 =	simm.s32 @p0 $0x1  }
0x13: {  	[smem:$0x3FB3] =	sst s0;
	s0 =	simm.s32 @!p1 $0x0  }
0x14: {  	s2 =	sld [smem:$0x3F97];
	s0 =	simm.s32 @p1 $0x1  }
0x15: {  	[smem:$0x3FB4] =	sst s0;
	s0 =	simm.s32 @!p2 $0x0  }
0x16: {  	s3 =	sld [smem:$0x3FDB];
	s0 =	simm.s32 @p2 $0x1  }
0x17: {  	s4 =	simm.s32 $0x1BF5;
	[smem:$0x3FB6] =	sst s0  }
0x18: {  	s0 =	sld [smem:$0x3F99];
	_ =	swait.ge [sflag:s4], $0x0  }
0x19: {  	s7 =	sld [smem:$0x3F9A]  }
0x1a: {  	s8 =	sadd.s32 $0xFFFFE003, lr  }
0x1b: {  	s9 =	sadd.s32 $0xFFFFFEF7, lr;
	s5 =	simm.s32 $0xFFFFFFFF;
	p2 =	slt.u32 s8, $0xFFFFF086  }
0x1c: {  	p1 =	slt.u32 s9, $0xF7A;
	s5 =	simm.s32 @!p2 $0x0  }
0x1d: {  	s5 =	simm.s32 @p1 $0x1;
	p0 =	seq.s32 s7, s2  }
0x1e: {  	s7 =	smul.u32 @!p0 $0xF7A, s2;
	p2 =	seq.s32 @!p0 s5, $0x0  }
0x1f: {  	s9 =	smul.u32 $0xF7A, s1;
	s8 =	simm.s32 @!p0 $0x1BF5;
	p2 =	por !p2, p0  }
0x20: {  	[sflag:s8] =	ssyncset.s32 @!p0 $0xFFFFF086;
	s6 =	sadd.s32 @!p0 s3, s7;
	s7 =	simm.s32 @!p0 $0x108  }
0x21: {  	s3 =	sadd.s32 s3, s9;
	s6 =	sadd.s32 @!p0 $0x88, s6;
	s7 =	simm.s32 @p2 $0x1082  }
0x22: {  	[simem:s7], [sflag:s8] =	dma.local @!p0 [hbm:s6], $0xF7A  }
0x23: {  	s9 =	sor.u32 $0xD0000000, s2;
	s6 =	simm.s32 $0x108;
	_ =	swait.ge @!p0 [sflag:s8], $0x0  }
0x24: {  	s3 =	sadd.s32 $0x88, s3;
	s6 =	simm.s32 @!p1 $0x1082;
	[sflag:s4] =	ssyncset.s32 $0xFFFFF086  }
0x25: {  	[simem:s6], [sflag:s4] =	dma.local [hbm:s3], $0xF7A  }
0x26: {  	[smem:$0x3F9A] =	sst s1;
	(tag) =	ssettag s2;
	_ =	strace s9  }
0x27: {  	s1 =	sld [smem:$0x3FAA]  }
0x28: {  	s2 =	sld [smem:$0x3FAB]  }
0x29: {  	s4 =	sld [smem:$0x3FAD]  }
0x2a: {  	p0 =	seq.s32 s5, $0x0;
	s5 =	sld [smem:$0x3FAE]  }
0x2b: {  	s6 =	sld [smem:$0x3FAF]  }
0x2c: {  	s7 =	sld [smem:$0x3FB0]  }
0x2d: {  	s3 =	simm.s32 $0x108;
	s8 =	sld [smem:$0x3FB1]  }
0x2e: {  	s3 =	simm.s32 @!p0 $0x1082;
	s9 =	sld [smem:$0x3FB2]  }
0x2f: {  	lr =	sadd.s32 s0, s3;
	s0 =	sld [smem:$0x3FA9]  }
0x30: {  	s3 =	sld [smem:$0x3FAC]  }
0x31: {  	[smem:$0x3FB5] =	sst s10  }
0x32: {  	s10 =	sld [smem:$0x3FB3];
	_ =	sdelay $0x3  }
0x33: {  	p0 =	seq.s32 s10, $0x1;
	s10 =	sld [smem:$0x3FB5];
	_ =	sdelay $0x3  }
0x34: {  	[smem:$0x3FB5] =	sst s10  }
0x35: {  	s10 =	sld [smem:$0x3FB4];
	_ =	sdelay $0x3  }
0x36: {  	p1 =	seq.s32 s10, $0x1;
	s10 =	sld [smem:$0x3FB5];
	_ =	sdelay $0x3  }
0x37: {  	[smem:$0x3FB5] =	sst s10  }
0x38: {  	s10 =	sld [smem:$0x3FB6]  }
0x39: {  	_ = 	snop;
	(pc) =	sbr.ind lr, $3  }
0x3a: {  	_ = 	snop  }
0x3b: {  	_ = 	snop  }
0x3c: {  	p2 =	seq.s32 s10, $0x1;
	s10 =	sld [smem:$0x3FB5]  }
0x3d: {  	_ =	shalt  }
0x3e: {  	_ =	shalt  }
0x3f: {  	_ =	shalt  }
0x40: {  	_ =	shalt  }
0x41: {  	_ =	shalt  }
0x42: {  	_ =	shalt  }
0x43: {  	_ =	shalt  }
0x44: {  	_ =	shalt  }
0x45: {  	_ =	shalt  }
0x46: {  	_ =	shalt  }
0x47: {  	_ =	shalt  }
0x48: {  	_ =	shalt  }
0x49: {  	_ =	shalt  }
0x4a: {  	_ =	shalt  }
0x4b: {  	_ =	shalt  }
0x4c: {  	_ =	shalt  }
0x4d: {  	_ =	shalt  }
0x4e: {  	_ =	shalt  }
0x4f: {  	_ =	shalt  }
0x50: {  	_ =	shalt  }
0x51: {  	_ =	shalt  }
0x52: {  	_ =	shalt  }
0x53: {  	_ =	shalt  }
0x54: {  	_ =	shalt  }
0x55: {  	_ =	shalt  }
0x56: {  	_ =	shalt  }
0x57: {  	_ =	shalt  }
0x58: {  	_ =	shalt  }
0x59: {  	_ =	shalt  }
0x5a: {  	_ =	shalt  }
0x5b: {  	_ =	shalt  }
0x5c: {  	_ =	shalt  }
0x5d: {  	_ =	shalt  }
0x5e: {  	_ =	shalt  }
0x5f: {  	_ =	shalt  }
0x60: {  	_ =	shalt  }
0x61: {  	_ =	shalt  }
0x62: {  	_ =	shalt  }
0x63: {  	_ =	shalt  }
0x64: {  	_ =	shalt  }
0x65: {  	_ =	shalt  }
0x66: {  	_ =	shalt  }
0x67: {  	_ =	shalt  }
0x68: {  	_ =	shalt  }
0x69: {  	_ =	shalt  }
0x6a: {  	_ =	shalt  }
0x6b: {  	_ =	shalt  }
0x6c: {  	_ =	shalt  }
0x6d: {  	_ =	shalt  }
0x6e: {  	_ =	shalt  }
0x6f: {  	_ =	shalt  }
0x70: {  	_ =	shalt  }
0x71: {  	_ =	shalt  }
0x72: {  	_ =	shalt  }
0x73: {  	_ =	shalt  }
0x74: {  	_ =	shalt  }
0x75: {  	_ =	shalt  }
0x76: {  	_ =	shalt  }
0x77: {  	_ =	shalt  }
0x78: {  	_ =	shalt  }
0x79: {  	_ =	shalt  }
0x7a: {  	_ =	shalt  }
0x7b: {  	_ =	shalt  }
0x7c: {  	_ =	shalt  }
0x7d: {  	_ =	shalt  }
0x7e: {  	_ =	shalt  }
0x7f: {  	_ =	shalt  }
0x80: {  	_ =	shalt  }
0x81: {  	_ =	shalt  }
0x82: {  	_ =	shalt  }
0x83: {  	_ =	shalt  }
0x84: {  	_ =	shalt  }
0x85: {  	_ =	shalt  }
0x86: {  	_ =	shalt  }
0x87: {  	_ =	shalt  }
.Lfunc_end0:
.L_simem_size_0:
called_computation.2_lowered:
.L_overlay_start_0:
0x88: {  	s2 =	sld [smem:$0x3FD9]  }
0x89: {  	s3 =	sld [smem:$0x3FFE];
	_ =	sdelay $0x1  }
0x8a: {  	s1 =	srdreg.scid  }
0x8b: {  	s0 =	sand.u32 $0x1, s1  }
0x8c: {  	s17 =	sshll.u32 s0, $0xA;
	s2 =	sadd.s32 s3, s2  }
0x8d: {  	s2 =	sadd.s32 s2, s17  }
0x8e: {  	[smem:$0x3FC1] =	sst s2  }
0x8f: {  	_ = 	snop  }
0x90: {  	s2 =	sld [smem:$0x3FD0];
	(tm) =	ssettm $0x1  }
0x91: {  	s18 =	sld [smem:$0x3FFB];
	_ =	sdelay $0x3  }
0x92: {  	_ =	strace s18  }
0x93: {  	s3 =	sld [smem:$0x3FFC];
	_ =	sdelay $0x3  }
0x94: {  	_ =	strace s3  }
0x95: {  	s3 =	sld [smem:$0x3FFD];
	_ =	sdelay $0x3  }
0x96: {  	_ =	strace s3  }
0x97: {  	_ =	strace $0x8FFFFFFF  }
0x98: {  	s19 =	sld [smem:$0x3FDB];
	_ =	sdelay $0x1  }
0x99: {  	s4 =	simm.s32 $_scs_section_size  }
0x9a: {  	s5 =	simm.s32 $_size__tile_overlayer_lowered;
	s6 =	simm.s32 $_tile_overlayer_lowered  }
0x9b: {  	s22 =	simm.s32 $0x1BFF;
	s21 =	sshll.u32 s6, $0x1;
	s3 =	sadd.s32 s4, s19  }
0x9c: {  	s7 =	simm.s32 $0x0;
	s20 =	sshll.u32 s5, $0x1;
	s5 =	sadd.s32 s21, s3  }
0x9d: {  	[timem:s7], [sflag:s22] =	dma.local [hbm:s5], s20  }
0x9e: {  	_ =	swait.ge [sflag:s22], s20  }
0x9f: {  	s4 =	ssub.s32 $0x0, s20;
	[sflag:s22] =	ssyncset.done $0x0  }
0xa0: {  	[sflag:s22] =	ssyncadd.s32 s4;
	_ =	sdelay $0x1  }
0xa1: {  	s23 =	simm.s32 $0x1B8B  }
0xa2: {  	_ =	swait.ge [sflag:s23], $0x1  }
0xa3: {  	[sflag:s23] =	ssyncset.done $0x0  }
0xa4: {  	s25 =	simm.s32 $0x1B8E;
	s24 =	sld [smem:$0x3FFE];
	[sflag:s23] =	ssyncadd.s32 $0xFFFFFFFF  }
0xa5: {  	s26 =	simm.s32 $execute0_lowered;
	[smem:$0x3FD2] =	sst s25  }
0xa6: {  	s5 =	sshll.u32 s26, $0x1;
	_ =	strace $0x8000004C;
	[dreg:$0x1] =	wrdreg $0xFFFFFFFF  }
0xa7: {  	s28 =	simm.s32 $_size_execute0_lowered;
	s3 =	sadd.s32 s3, s5;
	[dreg:$0x0] =	wrdreg $0x0  }
0xa8: {  	s5 =	sshll.u32 s28, $0x1;
	[dreg:$0x2] =	wrdreg s3  }
0xa9: {  	[dreg:$0x3] =	wrdreg s5  }
0xaa: {  	[dreg:$0x4] =	wrdreg $0xC0  }
0xab: {  	_ =	task [dreg:s7], $0x5FFFF  }
0xac: {  	[dreg:$0x1] =	wrdreg $0xFFFFFFFF  }
0xad: {  	[dreg:$0x0] =	wrdreg $0x60  }
0xae: {  	[dreg:$0x2] =	wrdreg s2  }
0xaf: {  	[dreg:$0x3] =	wrdreg s24  }
0xb0: {  	[dreg:$0x4] =	wrdreg $0x9  }
0xb1: {  	_ =	task.clear_ibuf [dreg:s7], $0x5FFFF;
	_ =	strace $0x9000004C  }
0xb2: {  	s29 =	simm.s32 $0x9;
	_ =	strace $0x8000004E  }
0xb3: {  	_ =	swait.ge [sflag:s29], $0x1  }
0xb4: {  	[sflag:s29] =	ssyncadd.s32 $0xFFFFFFFF  }
0xb5: {  	_ =	strace $0x9000004E  }
0xb6: {  	_ =	sfence  }
0xb7: {  	s30 =	sld [smem:$0x0];
	_ =	sdelay $0x2  }
0xb8: {  	s31 =	sshll.u32 s1, $0xD;
	s1 =	sshrl.u32 s1, $0x2  }
0xb9: {  	s3 =	sand.u32 $0x4000, s31;
	s1 =	sadd.s32 s1, s30  }
0xba: {  	s0 =	sor.u32 s3, s0;
	s1 =	sshll.u32 s1, $0x11  }
0xbb: {  	s0 =	sor.u32 s1, s0  }
0xbc: {  	s0 =	sadd.s32 $0x8F2B, s0  }
0xbd: {  	[sflag:s0] =	ssyncadd.remote.s32 $0x1  }
0xbe: {  	_ =	sfence.sel $0xFFFF  }
0xbf: {  	[dreg:$0x0] =	wrdreg $0xFFFFFFFF;
	(pc) =	sbr.abs _section_cstart, $3  }
0xc0: {  	[dreg:$0x1] =	wrdreg $0xFFFFFFFF  }
0xc1: {  	_ =	task.clear_ibuf [dreg:s7], $0x2FFFF;
	_ =	strace $0x9FFFFFFF  }
0xc2: {  	(tm) =	ssettm $0x7FFFFFFF  }
0xc3: {  	_ =	shalt  }
tec
execute0_lowered:
.L_overlay_start_1:
0x0: {  	(tag) =	ssettag $0x1  }
0x1: {  	s1 =	rddreg [dreg:$0x0]  }
0x2: {  	s4 =	rddreg [dreg:$0x1]  }
0x3: {  	s0 =	rddreg [dreg:$0x2];
	s3 =	simm.s32 $0x0  }
0x4: {  	s5 =	srdreg.scid;
	s2 =	stileid.u32;
	s12 =	simm.s32 $0x880  }
0x5: {  	s13 =	simm.s32 $0x1080;
	s14 =	simm.s32 $0x1880;
	s15 =	simm.s32 $0x2080  }
0x6: {  	s16 =	simm.s32 $0x2880;
	s17 =	simm.s32 $0x3080;
	s18 =	simm.s32 $0x3880  }
0x7: {  	s19 =	simm.s32 $0x4080;
	s20 =	simm.s32 $0x4880;
	s21 =	simm.s32 $0x5080  }
0x8: {  	s22 =	simm.s32 $0x5880;
	s23 =	simm.s32 $0x6080;
	s24 =	simm.s32 $0x6880  }
0x9: {  	s25 =	simm.s32 $0x7080;
	s26 =	simm.s32 $0x7880;
	s28 =	simm.s32 $0x1  }
0xa: {  	[smem:$0x7FF] =	sst s3;
	s5 =	sand.u32 $0x1, s5;
	s6 =	sshll.u32 s2, $0x1  }
0xb: {  	s7 =	sadd.s32 $0x51C00, s4;
	s9 =	sadd.s32 $0x51E00, s4;
	s8 =	ssub.s32 $0x2, s5  }
0xc: {  	_ =	strace $0x8000004D;
	s6 =	sor.u32 s5, s6;
	s30 =	sshrl.u32 s8, $0x1  }
0xd: {  	s5 =	sshll.u32 s6, $0x4;
	s31 =	sshll.u32 s6, $0x7;
	s6 =	sshll.u32 s6, $0xD  }
0xe: {  	s10 =	ssub.s32 s8, s30;
	s4 =	sadd.s32 s7, s5;
	s8 =	sor.u32 $0x40, s31  }
0xf: {  	v2 =	vlaneseq.u32;
	s5 =	sadd.s32 $0x100, s1;
	s11 =	sshrl.u32 s8, $0x3;
	s8 =	sshll.u32 s8, $0x6  }
0x10: {  	vm0 =	vmmov $0xffff;
	v1 =	vshrl.u32 v2, $0x3;
	s6 =	sadd.s32 s9, s6;
	s7 =	sadd.s32 s7, s11;
	s8 =	sadd.s32 s9, s8  }
0x11: {  	v0 =	vand.u32 $0x7, v2;
	v2 =	vor.u32 $0x8, v2;
	v1 =	vmul.u32 $0x8, v1;
	s9 =	smax.u32 s10, $0x1;
	s10 =	simm.s32 $0x2;
	s11 =	simm.s32 $0x80  }
.LBB2_1:
0x12: {  	[tilespmem:s3], [sflag:$0x2] =	stream.linear.gather [hbm4b:s4+s3], $0x40, $0x38;
	[tilespmem:$0x8080] =	vst v63  }
0x13: {  	_ =	swait.ge [sflag:s10], $0x40  }
0x14: {  	[sflag:s10] =	ssyncset.done $0x0  }
0x15: {  	[sflag:s10] =	ssyncadd.s32 $0xFFFFFFC0  }
0x16: {  	v3 =	vld [tilespmem:$0x0];
	_ =	sdelay $0x4  }
0x17: {  	v4 =	vshll.u32 v3, $0x2  }
0x18: {  	v3 =	vand.u32 $0x7, v3;
	v4 =	vand.u32 $0xFFFFFFE0, v4  }
0x19: {  	v3 =	vor.u32 v3, v4  }
0x1a: {  	v4 =	vperm.xlane v3, v0;
	_ =	sdelay $0x1  }
0x1b: {  	v4 =	vadd.s32 v1, v4;
	_ =	sdelay $0x1  }
0x1c: {  	v3 =	vperm.xlane v3, v2;
	_ =	sdelay $0x1  }
0x1d: {  	v3 =	vadd.s32 v1, v3  }
0x1e: {  	[tilespmem:s11], [sflag:$0x1] =	stream.indirect_vreg.gather [hbm4b:s1+s3], $0x80, v4, vm0, $0xb8;
	[tilespmem:$0x8080] =	vst v63  }
0x1f: {  	_ = 	snop  }
0x20: {  	[tilespmem:s12], [sflag:$0x1] =	stream.indirect_vreg.gather [hbm4b:s5+s3], $0x80, v4, vm0, $0xb8;
	[tilespmem:$0x8080] =	vst v63  }
0x21: {  	_ = 	snop  }
0x22: {  	[tilespmem:s13], [sflag:$0x1] =	stream.indirect_vreg.gather [hbm4b:s1+s3], $0x80, v3, vm0, $0xb8;
	[tilespmem:$0x8080] =	vst v63  }
0x23: {  	_ = 	snop  }
0x24: {  	[tilespmem:s14], [sflag:$0x1] =	stream.indirect_vreg.gather [hbm4b:s5+s3], $0x80, v3, vm0, $0xb8;
	[tilespmem:$0x8080] =	vst v63  }
0x25: {  	v3 =	vld [tilespmem:$0x10];
	_ =	sdelay $0x4  }
0x26: {  	v57 =	vshll.u32 v3, $0x2  }
0x27: {  	v3 =	vand.u32 $0x7, v3;
	v4 =	vand.u32 $0xFFFFFFE0, v57  }
0x28: {  	v3 =	vor.u32 v3, v4  }
0x29: {  	v4 =	vperm.xlane v3, v0;
	_ =	sdelay $0x1  }
0x2a: {  	v4 =	vadd.s32 v1, v4;
	_ =	sdelay $0x1  }
0x2b: {  	v3 =	vperm.xlane v3, v2;
	_ =	sdelay $0x1  }
0x2c: {  	v3 =	vadd.s32 v1, v3  }
0x2d: {  	[tilespmem:s15], [sflag:$0x1] =	stream.indirect_vreg.gather [hbm4b:s1+s3], $0x80, v4, vm0, $0xb8;
	[tilespmem:$0x8080] =	vst v63  }
0x2e: {  	_ = 	snop  }
0x2f: {  	[tilespmem:s16], [sflag:$0x1] =	stream.indirect_vreg.gather [hbm4b:s5+s3], $0x80, v4, vm0, $0xb8;
	[tilespmem:$0x8080] =	vst v63  }
0x30: {  	_ = 	snop  }
0x31: {  	[tilespmem:s17], [sflag:$0x1] =	stream.indirect_vreg.gather [hbm4b:s1+s3], $0x80, v3, vm0, $0xb8;
	[tilespmem:$0x8080] =	vst v63  }
0x32: {  	_ = 	snop  }
0x33: {  	[tilespmem:s18], [sflag:$0x1] =	stream.indirect_vreg.gather [hbm4b:s5+s3], $0x80, v3, vm0, $0xb8;
	[tilespmem:$0x8080] =	vst v63  }
0x34: {  	v3 =	vld [tilespmem:$0x20];
	_ =	sdelay $0x4  }
0x35: {  	v58 =	vshll.u32 v3, $0x2  }
0x36: {  	v3 =	vand.u32 $0x7, v3;
	v4 =	vand.u32 $0xFFFFFFE0, v58  }
0x37: {  	v3 =	vor.u32 v3, v4  }
0x38: {  	v4 =	vperm.xlane v3, v0;
	_ =	sdelay $0x1  }
0x39: {  	v4 =	vadd.s32 v1, v4;
	_ =	sdelay $0x1  }
0x3a: {  	v3 =	vperm.xlane v3, v2;
	_ =	sdelay $0x1  }
0x3b: {  	v3 =	vadd.s32 v1, v3  }
0x3c: {  	[tilespmem:s19], [sflag:$0x1] =	stream.indirect_vreg.gather [hbm4b:s1+s3], $0x80, v4, vm0, $0xb8;
	[tilespmem:$0x8080] =	vst v63  }
0x3d: {  	_ = 	snop  }
0x3e: {  	[tilespmem:s20], [sflag:$0x1] =	stream.indirect_vreg.gather [hbm4b:s5+s3], $0x80, v4, vm0, $0xb8;
	[tilespmem:$0x8080] =	vst v63  }
0x3f: {  	_ = 	snop  }
0x40: {  	[tilespmem:s21], [sflag:$0x1] =	stream.indirect_vreg.gather [hbm4b:s1+s3], $0x80, v3, vm0, $0xb8;
	[tilespmem:$0x8080] =	vst v63  }
0x41: {  	_ = 	snop  }
0x42: {  	[tilespmem:s22], [sflag:$0x1] =	stream.indirect_vreg.gather [hbm4b:s5+s3], $0x80, v3, vm0, $0xb8;
	[tilespmem:$0x8080] =	vst v63  }
0x43: {  	v3 =	vld [tilespmem:$0x30];
	_ =	sdelay $0x4  }
0x44: {  	v59 =	vshll.u32 v3, $0x2  }
0x45: {  	v3 =	vand.u32 $0x7, v3;
	v4 =	vand.u32 $0xFFFFFFE0, v59  }
0x46: {  	v3 =	vor.u32 v3, v4  }
0x47: {  	v4 =	vperm.xlane v3, v0;
	_ =	sdelay $0x1  }
0x48: {  	v4 =	vadd.s32 v1, v4;
	_ =	sdelay $0x1  }
0x49: {  	v3 =	vperm.xlane v3, v2;
	_ =	sdelay $0x1  }
0x4a: {  	v3 =	vadd.s32 v1, v3  }
0x4b: {  	[tilespmem:s23], [sflag:$0x1] =	stream.indirect_vreg.gather [hbm4b:s1+s3], $0x80, v4, vm0, $0xb8;
	[tilespmem:$0x8080] =	vst v63  }
0x4c: {  	_ = 	snop  }
0x4d: {  	[tilespmem:s24], [sflag:$0x1] =	stream.indirect_vreg.gather [hbm4b:s5+s3], $0x80, v4, vm0, $0xb8;
	[tilespmem:$0x8080] =	vst v63  }
0x4e: {  	_ = 	snop  }
0x4f: {  	[tilespmem:s25], [sflag:$0x1] =	stream.indirect_vreg.gather [hbm4b:s1+s3], $0x80, v3, vm0, $0xb8;
	[tilespmem:$0x8080] =	vst v63  }
0x50: {  	_ = 	snop  }
0x51: {  	[tilespmem:s26], [sflag:$0x1] =	stream.indirect_vreg.gather [hbm4b:s5+s3], $0x80, v3, vm0, $0xb8;
	[tilespmem:$0x8080] =	vst v63  }
0x52: {  	_ =	swait.ge [sflag:s28], $0x8000  }
0x53: {  	[sflag:s28] =	ssyncset.done $0x0  }
0x54: {  	[sflag:s28] =	ssyncadd.s32 $0xFFFF8000  }
0x55: {  	[hbm4b:s6+s3] =	stream.linear.scatter [tilespmem:s11], [sflag:$0x2], $0x8000, $0x38;
	[tilespmem:$0x8080] =	vst v63  }
0x56: {  	_ =	swait.ge [sflag:s10], $0x8000  }
0x57: {  	[sflag:s10] =	ssyncset.done $0x0  }
0x58: {  	[sflag:s10] =	ssyncadd.s32 $0xFFFF8000  }
0x59: {  	[tilespmem:s3], [sflag:$0x2] =	stream.linear.gather [hbm4b:s7+s3], $0x40, $0x38;
	[tilespmem:$0x8080] =	vst v63  }
0x5a: {  	_ =	swait.ge [sflag:s10], $0x40  }
0x5b: {  	[sflag:s10] =	ssyncset.done $0x0  }
0x5c: {  	[sflag:s10] =	ssyncadd.s32 $0xFFFFFFC0  }
0x5d: {  	v3 =	vld [tilespmem:$0x0];
	_ =	sdelay $0x4  }
0x5e: {  	v60 =	vshll.u32 v3, $0x2  }
0x5f: {  	v3 =	vand.u32 $0x7, v3;
	v4 =	vand.u32 $0xFFFFFFE0, v60  }
0x60: {  	v3 =	vor.u32 v3, v4  }
0x61: {  	v4 =	vperm.xlane v3, v0;
	_ =	sdelay $0x1  }
0x62: {  	v4 =	vadd.s32 v1, v4;
	_ =	sdelay $0x1  }
0x63: {  	v3 =	vperm.xlane v3, v2;
	_ =	sdelay $0x1  }
0x64: {  	v3 =	vadd.s32 v1, v3  }
0x65: {  	[tilespmem:s11], [sflag:$0x1] =	stream.indirect_vreg.gather [hbm4b:s1+s3], $0x80, v4, vm0, $0xb8;
	[tilespmem:$0x8080] =	vst v63  }
0x66: {  	_ = 	snop  }
0x67: {  	[tilespmem:s12], [sflag:$0x1] =	stream.indirect_vreg.gather [hbm4b:s5+s3], $0x80, v4, vm0, $0xb8;
	[tilespmem:$0x8080] =	vst v63  }
0x68: {  	_ = 	snop  }
0x69: {  	[tilespmem:s13], [sflag:$0x1] =	stream.indirect_vreg.gather [hbm4b:s1+s3], $0x80, v3, vm0, $0xb8;
	[tilespmem:$0x8080] =	vst v63  }
0x6a: {  	_ = 	snop  }
0x6b: {  	[tilespmem:s14], [sflag:$0x1] =	stream.indirect_vreg.gather [hbm4b:s5+s3], $0x80, v3, vm0, $0xb8;
	[tilespmem:$0x8080] =	vst v63  }
0x6c: {  	v3 =	vld [tilespmem:$0x10];
	_ =	sdelay $0x4  }
0x6d: {  	v61 =	vshll.u32 v3, $0x2  }
0x6e: {  	v3 =	vand.u32 $0x7, v3;
	v4 =	vand.u32 $0xFFFFFFE0, v61  }
0x6f: {  	v3 =	vor.u32 v3, v4  }
0x70: {  	v4 =	vperm.xlane v3, v0;
	_ =	sdelay $0x1  }
0x71: {  	v4 =	vadd.s32 v1, v4;
	_ =	sdelay $0x1  }
0x72: {  	v3 =	vperm.xlane v3, v2;
	_ =	sdelay $0x1  }
0x73: {  	v3 =	vadd.s32 v1, v3  }
0x74: {  	[tilespmem:s15], [sflag:$0x1] =	stream.indirect_vreg.gather [hbm4b:s1+s3], $0x80, v4, vm0, $0xb8;
	[tilespmem:$0x8080] =	vst v63  }
0x75: {  	_ = 	snop  }
0x76: {  	[tilespmem:s16], [sflag:$0x1] =	stream.indirect_vreg.gather [hbm4b:s5+s3], $0x80, v4, vm0, $0xb8;
	[tilespmem:$0x8080] =	vst v63  }
0x77: {  	_ = 	snop  }
0x78: {  	[tilespmem:s17], [sflag:$0x1] =	stream.indirect_vreg.gather [hbm4b:s1+s3], $0x80, v3, vm0, $0xb8;
	[tilespmem:$0x8080] =	vst v63  }
0x79: {  	_ = 	snop  }
0x7a: {  	[tilespmem:s18], [sflag:$0x1] =	stream.indirect_vreg.gather [hbm4b:s5+s3], $0x80, v3, vm0, $0xb8;
	[tilespmem:$0x8080] =	vst v63  }
0x7b: {  	v3 =	vld [tilespmem:$0x20];
	_ =	sdelay $0x4  }
0x7c: {  	v62 =	vshll.u32 v3, $0x2  }
0x7d: {  	v3 =	vand.u32 $0x7, v3;
	v4 =	vand.u32 $0xFFFFFFE0, v62  }
0x7e: {  	v3 =	vor.u32 v3, v4  }
0x7f: {  	v4 =	vperm.xlane v3, v0;
	_ =	sdelay $0x1  }
0x80: {  	v4 =	vadd.s32 v1, v4;
	_ =	sdelay $0x1  }
0x81: {  	v3 =	vperm.xlane v3, v2;
	_ =	sdelay $0x1  }
0x82: {  	v3 =	vadd.s32 v1, v3  }
0x83: {  	[tilespmem:s19], [sflag:$0x1] =	stream.indirect_vreg.gather [hbm4b:s1+s3], $0x80, v4, vm0, $0xb8;
	[tilespmem:$0x8080] =	vst v63  }
0x84: {  	_ = 	snop  }
0x85: {  	[tilespmem:s20], [sflag:$0x1] =	stream.indirect_vreg.gather [hbm4b:s5+s3], $0x80, v4, vm0, $0xb8;
	[tilespmem:$0x8080] =	vst v63  }
0x86: {  	_ = 	snop  }
0x87: {  	[tilespmem:s21], [sflag:$0x1] =	stream.indirect_vreg.gather [hbm4b:s1+s3], $0x80, v3, vm0, $0xb8;
	[tilespmem:$0x8080] =	vst v63  }
0x88: {  	_ = 	snop  }
0x89: {  	[tilespmem:s22], [sflag:$0x1] =	stream.indirect_vreg.gather [hbm4b:s5+s3], $0x80, v3, vm0, $0xb8;
	[tilespmem:$0x8080] =	vst v63  }
0x8a: {  	v3 =	vld [tilespmem:$0x30];
	_ =	sdelay $0x4  }
0x8b: {  	v63 =	vshll.u32 v3, $0x2  }
0x8c: {  	v3 =	vand.u32 $0x7, v3;
	v4 =	vand.u32 $0xFFFFFFE0, v63  }
0x8d: {  	v3 =	vor.u32 v3, v4  }
0x8e: {  	v4 =	vperm.xlane v3, v0;
	_ =	sdelay $0x1  }
0x8f: {  	v4 =	vadd.s32 v1, v4;
	_ =	sdelay $0x1  }
0x90: {  	v3 =	vperm.xlane v3, v2;
	_ =	sdelay $0x1  }
0x91: {  	v3 =	vadd.s32 v1, v3  }
0x92: {  	[tilespmem:s23], [sflag:$0x1] =	stream.indirect_vreg.gather [hbm4b:s1+s3], $0x80, v4, vm0, $0xb8;
	[tilespmem:$0x8080] =	vst v63  }
0x93: {  	_ = 	snop  }
0x94: {  	[tilespmem:s24], [sflag:$0x1] =	stream.indirect_vreg.gather [hbm4b:s5+s3], $0x80, v4, vm0, $0xb8;
	[tilespmem:$0x8080] =	vst v63  }
0x95: {  	_ = 	snop  }
0x96: {  	[tilespmem:s25], [sflag:$0x1] =	stream.indirect_vreg.gather [hbm4b:s1+s3], $0x80, v3, vm0, $0xb8;
	[tilespmem:$0x8080] =	vst v63  }
0x97: {  	_ = 	snop  }
0x98: {  	[tilespmem:s26], [sflag:$0x1] =	stream.indirect_vreg.gather [hbm4b:s5+s3], $0x80, v3, vm0, $0xb8;
	[tilespmem:$0x8080] =	vst v63  }
0x99: {  	_ =	swait.ge [sflag:s28], $0x8000  }
0x9a: {  	p0 =	sne.s32 s9, $0x1;
	[sflag:s28] =	ssyncset.done $0x0  }
.Ltmp0:
0x9b: {  	[sflag:s28] =	ssyncadd.s32 $0xFFFF8000;
	(pc) =	sbr.rel @p0 .LBB2_1-.Ltmp0, $4  }
0x9c: {  	[hbm4b:s8+s3] =	stream.linear.scatter [tilespmem:s11], [sflag:$0x2], $0x8000, $0x38;
	[tilespmem:$0x8080] =	vst v63  }
0x9d: {  	_ =	swait.ge [sflag:s10], $0x8000  }
0x9e: {  	[sflag:s10] =	ssyncset.done $0x0  }
0x9f: {  	s9 =	sadd.s32 $0xFFFFFFFF, s9;
	[sflag:s10] =	ssyncadd.s32 $0xFFFF8000  }
0xa0: {  	_ =	sfence.sel $0x180000  }
0xa1: {  	[bflag:$0x0] =	sbarrier.arrive $0xFFFF  }
0xa2: {  	p0 =	sne.s32 s2, $0x0;
	_ =	strace $0x9000004D  }
0xa3: {  	s0 =	sadd.s32 @!p0 $0x100000, s0;
	[bflag:$0x2] =	sbarrier.arrive $0xFFFF  }
0xa4: {  	[sflag:s0] =	ssyncadd.tile.s32 @!p0 $0x1;
	_ =	shalt  }
.Lfunc_end2:
_tile_overlayer_lowered:
.L_overlay_start_2:
0xa5: {  	(tag) =	ssettag $0x2  }
0xa6: {  	s0 =	rddreg [dreg:$0x0];
	s2 =	stileid.u32  }
0xa7: {  	s1 =	rddreg [dreg:$0x1];
	p0 =	sne.s32 s2, $0x0  }
0xa8: {  	s3 =	rddreg [dreg:$0x2];
	[bflag:$0x3] =	sbarrier.arrive $0xFFFF;
	s2 =	simm.s32 @!p0 $0x1C02  }
0xa9: {  	[timem:s3], [sflag:s2] =	dma.local @!p0 [hbm:s0], s1  }
0xaa: {  	s0 =	simm.s32 @!p0 $0x2  }
0xab: {  	_ =	swait.ge @!p0 [sflag:s0], s1  }
0xac: {  	s1 =	ssub.s32 @!p0 $0x0, s1;
	[sflag:s0] =	ssyncset.done @!p0 $0x0  }
0xad: {  	[sflag:s0] =	ssyncadd.s32 @!p0 s1  }
0xae: {  	[bflag:$0x3] =	sbarrier.arrive $0xFFFF  }
0xaf: {  	_ =	shalt  }

// kernel: kernel.8.cloned.1.call-start
scs
__scs_entry_jumppad:
0x0: {  	(pc) =	sbr.rel $0x88, $3  }
0x1: {  	(tag) =	ssettag $0x0;
	lr =	simm.s32 $0x1  }
0x2: {  	[smem:$0x3F9A] =	sst lr;
	_ =	strace $0xD0000000  }
0x3: {  	_ = 	snop  }
0x4: {  	_ = 	snop  }
0x5: {  	_ = 	snop  }
0x6: {  	_ = 	snop  }
0x7: {  	_ = 	snop  }
__scs_overlays_trampoline_lowered:
0x8: {  	[smem:$0x3FA9] =	sst s0  }
0x9: {  	[smem:$0x3FAA] =	sst s1  }
0xa: {  	[smem:$0x3FAB] =	sst s2  }
0xb: {  	[smem:$0x3FAC] =	sst s3  }
0xc: {  	[smem:$0x3FAD] =	sst s4  }
0xd: {  	[smem:$0x3FAE] =	sst s5  }
0xe: {  	[smem:$0x3FAF] =	sst s6  }
0xf: {  	[smem:$0x3FB0] =	sst s7  }
0x10: {  	[smem:$0x3FB1] =	sst s8  }
0x11: {  	[smem:$0x3FB2] =	sst s9;
	s0 =	simm.s32 @!p0 $0x0  }
0x12: {  	s1 =	sld [smem:$0x3F98];
	s0 =	simm.s32 @p0 $0x1  }
0x13: {  	[smem:$0x3FB3] =	sst s0;
	s0 =	simm.s32 @!p1 $0x0  }
0x14: {  	s2 =	sld [smem:$0x3F97];
	s0 =	simm.s32 @p1 $0x1  }
0x15: {  	[smem:$0x3FB4] =	sst s0;
	s0 =	simm.s32 @!p2 $0x0  }
0x16: {  	s3 =	sld [smem:$0x3FDB];
	s0 =	simm.s32 @p2 $0x1  }
0x17: {  	s4 =	simm.s32 $0x1BF5;
	[smem:$0x3FB6] =	sst s0  }
0x18: {  	s0 =	sld [smem:$0x3F99];
	_ =	swait.ge [sflag:s4], $0x0  }
0x19: {  	s7 =	sld [smem:$0x3F9A]  }
0x1a: {  	s8 =	sadd.s32 $0xFFFFE003, lr  }
0x1b: {  	s9 =	sadd.s32 $0xFFFFFEF7, lr;
	s5 =	simm.s32 $0xFFFFFFFF;
	p2 =	slt.u32 s8, $0xFFFFF086  }
0x1c: {  	p1 =	slt.u32 s9, $0xF7A;
	s5 =	simm.s32 @!p2 $0x0  }
0x1d: {  	s5 =	simm.s32 @p1 $0x1;
	p0 =	seq.s32 s7, s2  }
0x1e: {  	s7 =	smul.u32 @!p0 $0xF7A, s2;
	p2 =	seq.s32 @!p0 s5, $0x0  }
0x1f: {  	s9 =	smul.u32 $0xF7A, s1;
	s8 =	simm.s32 @!p0 $0x1BF5;
	p2 =	por !p2, p0  }
0x20: {  	[sflag:s8] =	ssyncset.s32 @!p0 $0xFFFFF086;
	s6 =	sadd.s32 @!p0 s3, s7;
	s7 =	simm.s32 @!p0 $0x108  }
0x21: {  	s3 =	sadd.s32 s3, s9;
	s6 =	sadd.s32 @!p0 $0x88, s6;
	s7 =	simm.s32 @p2 $0x1082  }
0x22: {  	[simem:s7], [sflag:s8] =	dma.local @!p0 [hbm:s6], $0xF7A  }
0x23: {  	s9 =	sor.u32 $0xD0000000, s2;
	s6 =	simm.s32 $0x108;
	_ =	swait.ge @!p0 [sflag:s8], $0x0  }
0x24: {  	s3 =	sadd.s32 $0x88, s3;
	s6 =	simm.s32 @!p1 $0x1082;
	[sflag:s4] =	ssyncset.s32 $0xFFFFF086  }
0x25: {  	[simem:s6], [sflag:s4] =	dma.local [hbm:s3], $0xF7A  }
0x26: {  	[smem:$0x3F9A] =	sst s1;
	(tag) =	ssettag s2;
	_ =	strace s9  }
0x27: {  	s1 =	sld [smem:$0x3FAA]  }
0x28: {  	s2 =	sld [smem:$0x3FAB]  }
0x29: {  	s4 =	sld [smem:$0x3FAD]  }
0x2a: {  	p0 =	seq.s32 s5, $0x0;
	s5 =	sld [smem:$0x3FAE]  }
0x2b: {  	s6 =	sld [smem:$0x3FAF]  }
0x2c: {  	s7 =	sld [smem:$0x3FB0]  }
0x2d: {  	s3 =	simm.s32 $0x108;
	s8 =	sld [smem:$0x3FB1]  }
0x2e: {  	s3 =	simm.s32 @!p0 $0x1082;
	s9 =	sld [smem:$0x3FB2]  }
0x2f: {  	lr =	sadd.s32 s0, s3;
	s0 =	sld [smem:$0x3FA9]  }
0x30: {  	s3 =	sld [smem:$0x3FAC]  }
0x31: {  	[smem:$0x3FB5] =	sst s10  }
0x32: {  	s10 =	sld [smem:$0x3FB3];
	_ =	sdelay $0x3  }
0x33: {  	p0 =	seq.s32 s10, $0x1;
	s10 =	sld [smem:$0x3FB5];
	_ =	sdelay $0x3  }
0x34: {  	[smem:$0x3FB5] =	sst s10  }
0x35: {  	s10 =	sld [smem:$0x3FB4];
	_ =	sdelay $0x3  }
0x36: {  	p1 =	seq.s32 s10, $0x1;
	s10 =	sld [smem:$0x3FB5];
	_ =	sdelay $0x3  }
0x37: {  	[smem:$0x3FB5] =	sst s10  }
0x38: {  	s10 =	sld [smem:$0x3FB6]  }
0x39: {  	_ = 	snop;
	(pc) =	sbr.ind lr, $3  }
0x3a: {  	_ = 	snop  }
0x3b: {  	_ = 	snop  }
0x3c: {  	p2 =	seq.s32 s10, $0x1;
	s10 =	sld [smem:$0x3FB5]  }
0x3d: {  	_ =	shalt  }
0x3e: {  	_ =	shalt  }
0x3f: {  	_ =	shalt  }
0x40: {  	_ =	shalt  }
0x41: {  	_ =	shalt  }
0x42: {  	_ =	shalt  }
0x43: {  	_ =	shalt  }
0x44: {  	_ =	shalt  }
0x45: {  	_ =	shalt  }
0x46: {  	_ =	shalt  }
0x47: {  	_ =	shalt  }
0x48: {  	_ =	shalt  }
0x49: {  	_ =	shalt  }
0x4a: {  	_ =	shalt  }
0x4b: {  	_ =	shalt  }
0x4c: {  	_ =	shalt  }
0x4d: {  	_ =	shalt  }
0x4e: {  	_ =	shalt  }
0x4f: {  	_ =	shalt  }
0x50: {  	_ =	shalt  }
0x51: {  	_ =	shalt  }
0x52: {  	_ =	shalt  }
0x53: {  	_ =	shalt  }
0x54: {  	_ =	shalt  }
0x55: {  	_ =	shalt  }
0x56: {  	_ =	shalt  }
0x57: {  	_ =	shalt  }
0x58: {  	_ =	shalt  }
0x59: {  	_ =	shalt  }
0x5a: {  	_ =	shalt  }
0x5b: {  	_ =	shalt  }
0x5c: {  	_ =	shalt  }
0x5d: {  	_ =	shalt  }
0x5e: {  	_ =	shalt  }
0x5f: {  	_ =	shalt  }
0x60: {  	_ =	shalt  }
0x61: {  	_ =	shalt  }
0x62: {  	_ =	shalt  }
0x63: {  	_ =	shalt  }
0x64: {  	_ =	shalt  }
0x65: {  	_ =	shalt  }
0x66: {  	_ =	shalt  }
0x67: {  	_ =	shalt  }
0x68: {  	_ =	shalt  }
0x69: {  	_ =	shalt  }
0x6a: {  	_ =	shalt  }
0x6b: {  	_ =	shalt  }
0x6c: {  	_ =	shalt  }
0x6d: {  	_ =	shalt  }
0x6e: {  	_ =	shalt  }
0x6f: {  	_ =	shalt  }
0x70: {  	_ =	shalt  }
0x71: {  	_ =	shalt  }
0x72: {  	_ =	shalt  }
0x73: {  	_ =	shalt  }
0x74: {  	_ =	shalt  }
0x75: {  	_ =	shalt  }
0x76: {  	_ =	shalt  }
0x77: {  	_ =	shalt  }
0x78: {  	_ =	shalt  }
0x79: {  	_ =	shalt  }
0x7a: {  	_ =	shalt  }
0x7b: {  	_ =	shalt  }
0x7c: {  	_ =	shalt  }
0x7d: {  	_ =	shalt  }
0x7e: {  	_ =	shalt  }
0x7f: {  	_ =	shalt  }
0x80: {  	_ =	shalt  }
0x81: {  	_ =	shalt  }
0x82: {  	_ =	shalt  }
0x83: {  	_ =	shalt  }
0x84: {  	_ =	shalt  }
0x85: {  	_ =	shalt  }
0x86: {  	_ =	shalt  }
0x87: {  	_ =	shalt  }
.Lfunc_end0:
.L_simem_size_0:
called_computation_lowered:
.L_overlay_start_0:
0x88: {  	s2 =	sld [smem:$0x3FD9]  }
0x89: {  	s3 =	sld [smem:$0x3FFE];
	_ =	sdelay $0x1  }
0x8a: {  	s1 =	srdreg.scid  }
0x8b: {  	s0 =	sand.u32 $0x1, s1  }
0x8c: {  	s17 =	sshll.u32 s0, $0xA;
	s2 =	sadd.s32 s3, s2  }
0x8d: {  	s2 =	sadd.s32 s2, s17  }
0x8e: {  	[smem:$0x3FC1] =	sst s2  }
0x8f: {  	_ = 	snop  }
0x90: {  	s2 =	sld [smem:$0x3FC9]  }
0x91: {  	s18 =	sld [smem:$0x3FC8];
	(tm) =	ssettm $0x1  }
0x92: {  	s4 =	sld [smem:$0x3FFB];
	_ =	sdelay $0x3  }
0x93: {  	_ =	strace s4  }
0x94: {  	s4 =	sld [smem:$0x3FFC];
	_ =	sdelay $0x3  }
0x95: {  	_ =	strace s4  }
0x96: {  	s4 =	sld [smem:$0x3FFD];
	_ =	sdelay $0x3  }
0x97: {  	_ =	strace s4  }
0x98: {  	_ =	strace $0x8FFFFFFF  }
0x99: {  	s19 =	sld [smem:$0x3FDB];
	_ =	sdelay $0x1  }
0x9a: {  	s5 =	simm.s32 $_scs_section_size  }
0x9b: {  	s6 =	simm.s32 $_size__tile_overlayer_lowered;
	s7 =	simm.s32 $_tile_overlayer_lowered  }
0x9c: {  	s22 =	simm.s32 $0x1BFF;
	s21 =	sshll.u32 s7, $0x1;
	s4 =	sadd.s32 s5, s19  }
0x9d: {  	s8 =	simm.s32 $0x0;
	s20 =	sshll.u32 s6, $0x1;
	s6 =	sadd.s32 s21, s4  }
0x9e: {  	[timem:s8], [sflag:s22] =	dma.local [hbm:s6], s20  }
0x9f: {  	_ =	swait.ge [sflag:s22], s20  }
0xa0: {  	s5 =	ssub.s32 $0x0, s20;
	[sflag:s22] =	ssyncset.done $0x0  }
0xa1: {  	[sflag:s22] =	ssyncadd.s32 s5;
	_ =	sdelay $0x1  }
0xa2: {  	s23 =	simm.s32 $0x1B8B  }
0xa3: {  	_ =	swait.ge [sflag:s23], $0x1  }
0xa4: {  	[sflag:s23] =	ssyncset.done $0x0  }
0xa5: {  	s25 =	simm.s32 $0x1B8E;
	s24 =	sld [smem:$0x3FFE];
	[sflag:s23] =	ssyncadd.s32 $0xFFFFFFFF  }
0xa6: {  	s26 =	simm.s32 $execute0_lowered;
	[smem:$0x3FD2] =	sst s25  }
0xa7: {  	s6 =	sshll.u32 s26, $0x1;
	_ =	strace $0x80000046;
	[dreg:$0x1] =	wrdreg $0xFFFFFFFF  }
0xa8: {  	s28 =	simm.s32 $_size_execute0_lowered;
	s4 =	sadd.s32 s4, s6;
	[dreg:$0x0] =	wrdreg $0x0  }
0xa9: {  	s6 =	sshll.u32 s28, $0x1;
	[dreg:$0x2] =	wrdreg s4  }
0xaa: {  	[dreg:$0x3] =	wrdreg s6  }
0xab: {  	[dreg:$0x4] =	wrdreg $0xC0  }
0xac: {  	_ =	task [dreg:s8], $0x5FFFF  }
0xad: {  	[dreg:$0x1] =	wrdreg $0xFFFFFFFF  }
0xae: {  	[dreg:$0x0] =	wrdreg $0x60  }
0xaf: {  	[dreg:$0x2] =	wrdreg s18  }
0xb0: {  	[dreg:$0x3] =	wrdreg s2  }
0xb1: {  	[dreg:$0x4] =	wrdreg s24  }
0xb2: {  	[dreg:$0x5] =	wrdreg $0x9  }
0xb3: {  	_ =	task.clear_ibuf [dreg:s8], $0x6FFFF;
	_ =	strace $0x90000046  }
0xb4: {  	s29 =	simm.s32 $0x9;
	_ =	strace $0x80000048  }
0xb5: {  	_ =	swait.ge [sflag:s29], $0x1  }
0xb6: {  	[sflag:s29] =	ssyncadd.s32 $0xFFFFFFFF  }
0xb7: {  	_ =	strace $0x90000048  }
0xb8: {  	_ =	sfence  }
0xb9: {  	s30 =	sld [smem:$0x0];
	_ =	sdelay $0x2  }
0xba: {  	s31 =	sshll.u32 s1, $0xD;
	s1 =	sshrl.u32 s1, $0x2  }
0xbb: {  	s3 =	sand.u32 $0x4000, s31;
	s1 =	sadd.s32 s1, s30  }
0xbc: {  	s0 =	sor.u32 s3, s0;
	s1 =	sshll.u32 s1, $0x11  }
0xbd: {  	s0 =	sor.u32 s1, s0  }
0xbe: {  	s0 =	sadd.s32 $0x8F2B, s0  }
0xbf: {  	[sflag:s0] =	ssyncadd.remote.s32 $0x1  }
0xc0: {  	_ =	sfence.sel $0xFFFF  }
0xc1: {  	[dreg:$0x0] =	wrdreg $0xFFFFFFFF;
	(pc) =	sbr.abs _section_cstart, $3  }
0xc2: {  	[dreg:$0x1] =	wrdreg $0xFFFFFFFF  }
0xc3: {  	_ =	task.clear_ibuf [dreg:s8], $0x2FFFF;
	_ =	strace $0x9FFFFFFF  }
0xc4: {  	(tm) =	ssettm $0x7FFFFFFF  }
0xc5: {  	_ =	shalt  }
tec
execute0_lowered:
.L_overlay_start_1:
0x0: {  	(tag) =	ssettag $0x1  }
0x1: {  	s1 =	rddreg [dreg:$0x0]  }
0x2: {  	s2 =	srdreg.scid;
	s4 =	rddreg [dreg:$0x1]  }
0x3: {  	s0 =	stileid.u32;
	s5 =	rddreg [dreg:$0x2];
	s3 =	simm.s32 $0x0  }
0x4: {  	s17 =	simm.s32 $0x880;
	s18 =	simm.s32 $0x1080;
	s19 =	simm.s32 $0x1880  }
0x5: {  	s21 =	simm.s32 $0x2080;
	s22 =	simm.s32 $0x2880;
	s23 =	simm.s32 $0x3080  }
0x6: {  	s24 =	simm.s32 $0x3880;
	s8 =	simm.s32 $0x4080;
	[smem:$0x7FF] =	sst s3  }
0x7: {  	s25 =	simm.s32 $0x4880;
	_ =	strace $0x80000047;
	[dreg:$0x6] =	wrdreg s17  }
0x8: {  	s26 =	simm.s32 $0x5080;
	s9 =	simm.s32 $0x80;
	[dreg:$0x7] =	wrdreg s18  }
0x9: {  	s11 =	simm.s32 $0x6080;
	s12 =	simm.s32 $0x6880;
	[dreg:$0x8] =	wrdreg s19  }
0xa: {  	s13 =	simm.s32 $0x7080;
	s14 =	simm.s32 $0x7880;
	[dreg:$0x9] =	wrdreg s21  }
0xb: {  	s15 =	simm.s32 $0x8080;
	s28 =	simm.s32 $0xE080;
	[dreg:$0xa] =	wrdreg s22  }
0xc: {  	s29 =	simm.s32 $0xE880;
	s30 =	simm.s32 $0xF080;
	[dreg:$0xb] =	wrdreg s23  }
0xd: {  	s31 =	simm.s32 $0xF880;
	s2 =	sand.u32 $0x1, s2;
	[dreg:$0xc] =	wrdreg s24  }
0xe: {  	s6 =	sshll.u32 s0, $0x7;
	s7 =	sshll.u32 s2, $0x6;
	[dreg:$0xd] =	wrdreg s8  }
0xf: {  	s2 =	ssub.s32 $0x2, s2;
	s8 =	simm.s32 $0x2;
	[dreg:$0xe] =	wrdreg s25  }
0x10: {  	[dreg:$0xf] =	wrdreg s26;
	s17 =	simm.s32 $0x9080;
	s18 =	simm.s32 $0x9880  }
0x11: {  	s19 =	simm.s32 $0xA080;
	s21 =	simm.s32 $0xB080;
	s22 =	simm.s32 $0xB880  }
0x12: {  	s23 =	simm.s32 $0xC080;
	s24 =	simm.s32 $0xC880;
	s25 =	simm.s32 $0xD080  }
0x13: {  	s26 =	simm.s32 $0xD880;
	s6 =	sor.u32 s7, s6;
	s20 =	sshrl.u32 s2, $0x1  }
0x14: {  	s7 =	sshll.u32 s6, $0x7;
	s6 =	sshrl.u32 s6, $0x3;
	s2 =	ssub.s32 s2, s20  }
0x15: {  	s20 =	simm.s32 $0xA880;
	s5 =	sadd.s32 s7, s5;
	s4 =	sadd.s32 s4, s6  }
0x16: {  	v2 =	vlaneseq.u32;
	s6 =	sadd.s32 $0x300, s1;
	s7 =	smax.u32 s2, $0x1;
	s2 =	simm.s32 $0x1  }
0x17: {  	vm0 =	vmmov $0xffff;
	v1 =	vshrl.u32 v2, $0x3;
	[dreg:$0x4] =	wrdreg s4;
	s16 =	sadd.s32 $0x1A00, s5;
	s4 =	sadd.s32 $0x100, s1  }
0x18: {  	v0 =	vand.u32 $0x7, v2;
	v2 =	vor.u32 $0x8, v2;
	v1 =	vmul.u32 $0x8, v1;
	s5 =	sadd.s32 $0x200, s1;
	[dreg:$0x5] =	wrdreg s16;
	s16 =	simm.s32 $0x8880  }
.LBB2_1:
0x19: {  	s0 =	rddreg [dreg:$0x4]  }
0x1a: {  	[tilespmem:s3], [sflag:$0x2] =	stream.linear.gather [hbm4b:s0+s3], $0x40, $0x38;
	[tilespmem:$0x10080] =	vst v63  }
0x1b: {  	_ =	swait.ge [sflag:s8], $0x40  }
0x1c: {  	[sflag:s8] =	ssyncset.done $0x0  }
0x1d: {  	[sflag:s8] =	ssyncadd.s32 $0xFFFFFFC0  }
0x1e: {  	v3 =	vld [tilespmem:$0x0];
	_ =	sdelay $0x4  }
0x1f: {  	v4 =	vshll.u32 v3, $0x3  }
0x20: {  	v3 =	vand.u32 $0x7, v3;
	v4 =	vand.u32 $0xFFFFFFC0, v4  }
0x21: {  	v3 =	vor.u32 v3, v4  }
0x22: {  	v4 =	vperm.xlane v3, v0;
	_ =	sdelay $0x1  }
0x23: {  	v4 =	vadd.s32 v1, v4;
	_ =	sdelay $0x4  }
0x24: {  	[tilespmem:s9], [sflag:$0x1] =	stream.indirect_vreg.gather [hbm4b:s1+s3], $0x80, v4, vm0, $0xb8;
	[tilespmem:$0x10080] =	vst v63  }
0x25: {  	s0 =	rddreg [dreg:$0x6];
	v3 =	vperm.xlane v3, v2  }
0x26: {  	[tilespmem:s0], [sflag:$0x1] =	stream.indirect_vreg.gather [hbm4b:s4+s3], $0x80, v4, vm0, $0xb8;
	[tilespmem:$0x10080] =	vst v63  }
0x27: {  	s10 =	rddreg [dreg:$0x7];
	v3 =	vadd.s32 v1, v3  }
0x28: {  	[tilespmem:s10], [sflag:$0x1] =	stream.indirect_vreg.gather [hbm4b:s5+s3], $0x80, v4, vm0, $0xb8;
	[tilespmem:$0x10080] =	vst v63  }
0x29: {  	s0 =	rddreg [dreg:$0x8]  }
0x2a: {  	[tilespmem:s0], [sflag:$0x1] =	stream.indirect_vreg.gather [hbm4b:s6+s3], $0x80, v4, vm0, $0xb8;
	[tilespmem:$0x10080] =	vst v63  }
0x2b: {  	s10 =	rddreg [dreg:$0x9]  }
0x2c: {  	[tilespmem:s10], [sflag:$0x1] =	stream.indirect_vreg.gather [hbm4b:s1+s3], $0x80, v3, vm0, $0xb8;
	[tilespmem:$0x10080] =	vst v63  }
0x2d: {  	s0 =	rddreg [dreg:$0xa]  }
0x2e: {  	[tilespmem:s0], [sflag:$0x1] =	stream.indirect_vreg.gather [hbm4b:s4+s3], $0x80, v3, vm0, $0xb8;
	[tilespmem:$0x10080] =	vst v63  }
0x2f: {  	s10 =	rddreg [dreg:$0xb]  }
0x30: {  	[tilespmem:s10], [sflag:$0x1] =	stream.indirect_vreg.gather [hbm4b:s5+s3], $0x80, v3, vm0, $0xb8;
	[tilespmem:$0x10080] =	vst v63  }
0x31: {  	s0 =	rddreg [dreg:$0xc]  }
0x32: {  	[tilespmem:s0], [sflag:$0x1] =	stream.indirect_vreg.gather [hbm4b:s6+s3], $0x80, v3, vm0, $0xb8;
	[tilespmem:$0x10080] =	vst v63  }
0x33: {  	v3 =	vld [tilespmem:$0x10];
	_ =	sdelay $0x4  }
0x34: {  	v61 =	vshll.u32 v3, $0x3  }
0x35: {  	v3 =	vand.u32 $0x7, v3;
	v4 =	vand.u32 $0xFFFFFFC0, v61  }
0x36: {  	v3 =	vor.u32 v3, v4  }
0x37: {  	v4 =	vperm.xlane v3, v0;
	_ =	sdelay $0x1  }
0x38: {  	v4 =	vadd.s32 v1, v4;
	_ =	sdelay $0x3  }
0x39: {  	s0 =	rddreg [dreg:$0xd]  }
0x3a: {  	[tilespmem:s0], [sflag:$0x1] =	stream.indirect_vreg.gather [hbm4b:s1+s3], $0x80, v4, vm0, $0xb8;
	[tilespmem:$0x10080] =	vst v63  }
0x3b: {  	s10 =	rddreg [dreg:$0xe];
	v3 =	vperm.xlane v3, v2  }
0x3c: {  	[tilespmem:s10], [sflag:$0x1] =	stream.indirect_vreg.gather [hbm4b:s4+s3], $0x80, v4, vm0, $0xb8;
	[tilespmem:$0x10080] =	vst v63  }
0x3d: {  	v3 =	vadd.s32 v1, v3;
	s0 =	rddreg [dreg:$0xf]  }
0x3e: {  	[tilespmem:s0], [sflag:$0x1] =	stream.indirect_vreg.gather [hbm4b:s5+s3], $0x80, v4, vm0, $0xb8;
	[tilespmem:$0x10080] =	vst v63  }
0x3f: {  	s10 =	simm.s32 $0x5880  }
0x40: {  	[tilespmem:s10], [sflag:$0x1] =	stream.indirect_vreg.gather [hbm4b:s6+s3], $0x80, v4, vm0, $0xb8;
	[tilespmem:$0x10080] =	vst v63  }
0x41: {  	_ = 	snop  }
0x42: {  	[tilespmem:s11], [sflag:$0x1] =	stream.indirect_vreg.gather [hbm4b:s1+s3], $0x80, v3, vm0, $0xb8;
	[tilespmem:$0x10080] =	vst v63  }
0x43: {  	_ = 	snop  }
0x44: {  	[tilespmem:s12], [sflag:$0x1] =	stream.indirect_vreg.gather [hbm4b:s4+s3], $0x80, v3, vm0, $0xb8;
	[tilespmem:$0x10080] =	vst v63  }
0x45: {  	_ = 	snop  }
0x46: {  	[tilespmem:s13], [sflag:$0x1] =	stream.indirect_vreg.gather [hbm4b:s5+s3], $0x80, v3, vm0, $0xb8;
	[tilespmem:$0x10080] =	vst v63  }
0x47: {  	_ = 	snop  }
0x48: {  	[tilespmem:s14], [sflag:$0x1] =	stream.indirect_vreg.gather [hbm4b:s6+s3], $0x80, v3, vm0, $0xb8;
	[tilespmem:$0x10080] =	vst v63  }
0x49: {  	v3 =	vld [tilespmem:$0x20];
	_ =	sdelay $0x4  }
0x4a: {  	v62 =	vshll.u32 v3, $0x3  }
0x4b: {  	v3 =	vand.u32 $0x7, v3;
	v4 =	vand.u32 $0xFFFFFFC0, v62  }
0x4c: {  	v3 =	vor.u32 v3, v4  }
0x4d: {  	v4 =	vperm.xlane v3, v0;
	_ =	sdelay $0x1  }
0x4e: {  	v4 =	vadd.s32 v1, v4;
	_ =	sdelay $0x4  }
0x4f: {  	[tilespmem:s15], [sflag:$0x1] =	stream.indirect_vreg.gather [hbm4b:s1+s3], $0x80, v4, vm0, $0xb8;
	[tilespmem:$0x10080] =	vst v63  }
0x50: {  	v3 =	vperm.xlane v3, v2  }
0x51: {  	[tilespmem:s16], [sflag:$0x1] =	stream.indirect_vreg.gather [hbm4b:s4+s3], $0x80, v4, vm0, $0xb8;
	[tilespmem:$0x10080] =	vst v63  }
0x52: {  	v3 =	vadd.s32 v1, v3  }
0x53: {  	[tilespmem:s17], [sflag:$0x1] =	stream.indirect_vreg.gather [hbm4b:s5+s3], $0x80, v4, vm0, $0xb8;
	[tilespmem:$0x10080] =	vst v63  }
0x54: {  	_ = 	snop  }
0x55: {  	[tilespmem:s18], [sflag:$0x1] =	stream.indirect_vreg.gather [hbm4b:s6+s3], $0x80, v4, vm0, $0xb8;
	[tilespmem:$0x10080] =	vst v63  }
0x56: {  	_ = 	snop  }
0x57: {  	[tilespmem:s19], [sflag:$0x1] =	stream.indirect_vreg.gather [hbm4b:s1+s3], $0x80, v3, vm0, $0xb8;
	[tilespmem:$0x10080] =	vst v63  }
0x58: {  	_ = 	snop  }
0x59: {  	[tilespmem:s20], [sflag:$0x1] =	stream.indirect_vreg.gather [hbm4b:s4+s3], $0x80, v3, vm0, $0xb8;
	[tilespmem:$0x10080] =	vst v63  }
0x5a: {  	_ = 	snop  }
0x5b: {  	[tilespmem:s21], [sflag:$0x1] =	stream.indirect_vreg.gather [hbm4b:s5+s3], $0x80, v3, vm0, $0xb8;
	[tilespmem:$0x10080] =	vst v63  }
0x5c: {  	_ = 	snop  }
0x5d: {  	[tilespmem:s22], [sflag:$0x1] =	stream.indirect_vreg.gather [hbm4b:s6+s3], $0x80, v3, vm0, $0xb8;
	[tilespmem:$0x10080] =	vst v63  }
0x5e: {  	v3 =	vld [tilespmem:$0x30];
	_ =	sdelay $0x4  }
0x5f: {  	v63 =	vshll.u32 v3, $0x3  }
0x60: {  	v3 =	vand.u32 $0x7, v3;
	v4 =	vand.u32 $0xFFFFFFC0, v63  }
0x61: {  	v3 =	vor.u32 v3, v4  }
0x62: {  	v4 =	vperm.xlane v3, v0;
	_ =	sdelay $0x1  }
0x63: {  	v4 =	vadd.s32 v1, v4;
	_ =	sdelay $0x4  }
0x64: {  	[tilespmem:s23], [sflag:$0x1] =	stream.indirect_vreg.gather [hbm4b:s1+s3], $0x80, v4, vm0, $0xb8;
	[tilespmem:$0x10080] =	vst v63  }
0x65: {  	v3 =	vperm.xlane v3, v2  }
0x66: {  	[tilespmem:s24], [sflag:$0x1] =	stream.indirect_vreg.gather [hbm4b:s4+s3], $0x80, v4, vm0, $0xb8;
	[tilespmem:$0x10080] =	vst v63  }
0x67: {  	v3 =	vadd.s32 v1, v3  }
0x68: {  	[tilespmem:s25], [sflag:$0x1] =	stream.indirect_vreg.gather [hbm4b:s5+s3], $0x80, v4, vm0, $0xb8;
	[tilespmem:$0x10080] =	vst v63  }
0x69: {  	_ = 	snop  }
0x6a: {  	[tilespmem:s26], [sflag:$0x1] =	stream.indirect_vreg.gather [hbm4b:s6+s3], $0x80, v4, vm0, $0xb8;
	[tilespmem:$0x10080] =	vst v63  }
0x6b: {  	_ = 	snop  }
0x6c: {  	[tilespmem:s28], [sflag:$0x1] =	stream.indirect_vreg.gather [hbm4b:s1+s3], $0x80, v3, vm0, $0xb8;
	[tilespmem:$0x10080] =	vst v63  }
0x6d: {  	_ = 	snop  }
0x6e: {  	[tilespmem:s29], [sflag:$0x1] =	stream.indirect_vreg.gather [hbm4b:s4+s3], $0x80, v3, vm0, $0xb8;
	[tilespmem:$0x10080] =	vst v63  }
0x6f: {  	_ = 	snop  }
0x70: {  	[tilespmem:s30], [sflag:$0x1] =	stream.indirect_vreg.gather [hbm4b:s5+s3], $0x80, v3, vm0, $0xb8;
	[tilespmem:$0x10080] =	vst v63  }
0x71: {  	_ = 	snop  }
0x72: {  	[tilespmem:s31], [sflag:$0x1] =	stream.indirect_vreg.gather [hbm4b:s6+s3], $0x80, v3, vm0, $0xb8;
	[tilespmem:$0x10080] =	vst v63  }
0x73: {  	_ =	swait.ge [sflag:s2], $0x10000  }
0x74: {  	p0 =	sne.s32 s7, $0x1;
	[sflag:s2] =	ssyncset.done $0x0  }
.Ltmp0:
0x75: {  	s10 =	rddreg [dreg:$0x5];
	[sflag:s2] =	ssyncadd.s32 $0xFFFF0000;
	(pc) =	sbr.rel @p0 .LBB2_1-.Ltmp0, $4  }
0x76: {  	[hbm4b:s10+s3] =	stream.linear.scatter [tilespmem:s9], [sflag:$0x2], $0x10000, $0x38;
	[tilespmem:$0x10080] =	vst v63  }
0x77: {  	_ =	swait.ge [sflag:s8], $0x10000  }
0x78: {  	[sflag:s8] =	ssyncset.done $0x0  }
0x79: {  	s7 =	sadd.s32 $0xFFFFFFFF, s7;
	[sflag:s8] =	ssyncadd.s32 $0xFFFF0000  }
0x7a: {  	_ =	sfence.sel $0x180000  }
0x7b: {  	[bflag:$0x0] =	sbarrier.arrive $0xFFFF  }
0x7c: {  	_ =	strace $0x90000047  }
0x7d: {  	s0 =	stileid.u32;
	[bflag:$0x2] =	sbarrier.arrive $0xFFFF  }
0x7e: {  	p0 =	sne.s32 s0, $0x0;
	s0 =	rddreg [dreg:$0x3]  }
0x7f: {  	s0 =	sadd.s32 @!p0 $0x100000, s0  }
0x80: {  	[sflag:s0] =	ssyncadd.tile.s32 @!p0 $0x1;
	_ =	shalt  }
.Lfunc_end2:
_tile_overlayer_lowered:
.L_overlay_start_2:
0x81: {  	(tag) =	ssettag $0x2  }
0x82: {  	s0 =	rddreg [dreg:$0x0];
	s2 =	stileid.u32  }
0x83: {  	s1 =	rddreg [dreg:$0x1];
	p0 =	sne.s32 s2, $0x0  }
0x84: {  	s3 =	rddreg [dreg:$0x2];
	[bflag:$0x3] =	sbarrier.arrive $0xFFFF;
	s2 =	simm.s32 @!p0 $0x1C02  }
0x85: {  	[timem:s3], [sflag:s2] =	dma.local @!p0 [hbm:s0], s1  }
0x86: {  	s0 =	simm.s32 @!p0 $0x2  }
0x87: {  	_ =	swait.ge @!p0 [sflag:s0], s1  }
0x88: {  	s1 =	ssub.s32 @!p0 $0x0, s1;
	[sflag:s0] =	ssyncset.done @!p0 $0x0  }
0x89: {  	[sflag:s0] =	ssyncadd.s32 @!p0 s1  }
0x8a: {  	[bflag:$0x3] =	sbarrier.arrive $0xFFFF  }
0x8b: {  	_ =	shalt  }

</sc_bundles>
